<compile_context>
chip_gen: v7x
topology: tpu7x:2x2x1
jax: 0.10.2.dev20260603
libtpu: 0.0.44.dev20260713+nightly
codegen_flags: <defaults>
</compile_context>

<pallas_src>
import functools

import jax
import jax.numpy as jnp
from jax import lax
from jax.experimental import pallas as pl
from jax.experimental.pallas import tpu as pltpu
from jax.experimental.pallas import tpu_sc as plsc

_MAX_LEN = 1000
_D = 128
_B = 16384
_NC = 2
_NS = 16
_NW = _NC * _NS
_BPW = _B // _NW
_CHUNK = 64
_NCHUNK = _BPW // _CHUNK
_TROWS = 64
_TREM = _MAX_LEN - _TROWS * (_NS - 1)


def _make_gather():
    mesh = plsc.VectorSubcoreMesh(core_axis_name="c", subcore_axis_name="s")

    @functools.partial(
        pl.kernel,
        mesh=mesh,
        out_type=jax.ShapeDtypeStruct((_NW, _BPW, _D), jnp.float32),
        scratch_types=[
            pltpu.VMEM_SHARED((_MAX_LEN, _D), jnp.float32),
            pltpu.VMEM((_NCHUNK, _CHUNK), jnp.int32),
            pltpu.VMEM((_BPW, _D), jnp.float32),
            *([pltpu.SemaphoreType.DMA] * _NCHUNK),
            pltpu.SemaphoreType.DMA,
        ],
    )
    def gather_kernel(table_hbm, idx_hbm, out_hbm, table_sp, idx_v, rows_v, *sems):
        gsems, ssem = sems[:_NCHUNK], sems[_NCHUNK]
        cid = lax.axis_index("c")
        sid = lax.axis_index("s")
        wid = sid * _NC + cid
        idx_cp = pltpu.make_async_copy(idx_hbm.at[wid], idx_v, ssem)
        idx_cp.start()
        @pl.when(sid < _NS - 1)
        def _():
            pltpu.sync_copy(
                table_hbm.at[pl.ds(sid * _TROWS, _TROWS)],
                table_sp.at[pl.ds(sid * _TROWS, _TROWS)],
            )

        @pl.when(sid == _NS - 1)
        def _():
            pltpu.sync_copy(
                table_hbm.at[pl.ds((_NS - 1) * _TROWS, _TREM)],
                table_sp.at[pl.ds((_NS - 1) * _TROWS, _TREM)],
            )

        idx_cp.wait()
        plsc.subcore_barrier()
        gathers = []
        for j in range(_NCHUNK):
            gathers.append(
                pltpu.make_async_copy(
                    table_sp.at[idx_v.at[j]],
                    rows_v.at[pl.ds(j * _CHUNK, _CHUNK)],
                    gsems[j],
                )
            )
        for c in gathers:
            c.start()
        stores = []
        for j in range(_NCHUNK):
            gathers[j].wait()
            s = pltpu.make_async_copy(
                rows_v.at[pl.ds(j * _CHUNK, _CHUNK)],
                out_hbm.at[wid, pl.ds(j * _CHUNK, _CHUNK)],
                ssem,
            )
            s.start()
            stores.append(s)
        for s in stores:
            s.wait()

    return gather_kernel


_gather = _make_gather()


def kernel(pos_encoding, t):
    idx = jnp.reshape(t.astype(jnp.int32), (_NW, _NCHUNK, _CHUNK))
    out = _gather(pos_encoding, idx)
    return jnp.reshape(out, (_B, _D))

# --- scband reference (transcript-rebuilt; emitter-appended) ---
"""Pipeline reference for scband-positional-encoding-71356586655827 (READ-ONLY COPY).

The authoritative reference and input builder live on the scoring server;
editing this copy changes nothing except your own understanding.
"""

import math
import jax, jax.numpy as jnp
import numpy as np

MAX_LEN = 1000
EMBED_DIM = 128
BATCH = 16384


def _build_pos_encoding():
    position = np.arange(MAX_LEN, dtype=np.float32)[:, None]
    div_term = np.exp(-math.log(10000.0) * np.arange(0, EMBED_DIM, 2, dtype=np.float32) / EMBED_DIM)
    pe = np.zeros((MAX_LEN, EMBED_DIM), dtype=np.float32)
    pe[:, 0::2] = np.sin(position * div_term)
    pe[:, 1::2] = np.cos(position * div_term)
    return jnp.asarray(pe)


def setup_inputs(seed: int = 0) -> dict:
    key = jax.random.key(seed)
    t = jax.random.randint(key, (BATCH, 1), 0, MAX_LEN, dtype=jnp.int32)
    pos_encoding = _build_pos_encoding()
    return {"pos_encoding": pos_encoding, "t": t}


def reference(pos_encoding, t):
    # pos_encoding[t] -> [B, 1, D]; squeeze(1) -> [B, D]
    gathered = jnp.take(pos_encoding, t, axis=0)
    out = jnp.squeeze(gathered, axis=1)
    # apply_dropout=False and dropout p=0.0 -> identity
    return out

if __name__ == "__main__":
    import jax
    _d = setup_inputs()
    print(jax.jit(kernel)(*tuple(_d.values())))

</pallas_src>

<mosaic_0001>
#map = affine_map<(d0, d1) -> (0, 0)>
#map1 = affine_map<(d0, d1) -> (0, 0, 0)>
module attributes {stable_mosaic.version = 14 : i64} {
  func.func @gather_kernel(%arg0: i32, %arg1: i32, %arg2: memref<1000x128xf32, #tpu.memory_space<hbm>>, %arg3: memref<32x8x64xi32, #tpu.memory_space<hbm>>, %arg4: memref<32x512x128xf32, #tpu.memory_space<hbm>>, %arg5: memref<1000x128xf32, #tpu.memory_space<vmem_shared>>, %arg6: memref<8x64xi32, #tpu.memory_space<vmem>>, %arg7: memref<512x128xf32, #tpu.memory_space<vmem>>, %arg8: memref<!tpu.dma_semaphore, #tpu.memory_space<semaphore_mem>>, %arg9: memref<!tpu.dma_semaphore, #tpu.memory_space<semaphore_mem>>, %arg10: memref<!tpu.dma_semaphore, #tpu.memory_space<semaphore_mem>>, %arg11: memref<!tpu.dma_semaphore, #tpu.memory_space<semaphore_mem>>, %arg12: memref<!tpu.dma_semaphore, #tpu.memory_space<semaphore_mem>>, %arg13: memref<!tpu.dma_semaphore, #tpu.memory_space<semaphore_mem>>, %arg14: memref<!tpu.dma_semaphore, #tpu.memory_space<semaphore_mem>>, %arg15: memref<!tpu.dma_semaphore, #tpu.memory_space<semaphore_mem>>, %arg16: memref<!tpu.dma_semaphore, #tpu.memory_space<semaphore_mem>>) attributes {dimension_semantics = [#tpu.dimension_semantics<core_parallel>, #tpu.dimension_semantics<subcore_parallel>], iteration_bounds = array<i64: 2, 16>, scalar_prefetch = 0 : i64, scratch_operands = 12 : i64, tpu.core_type = #tpu.core_type<sc_vector_subcore>, window_params = [{transform_indices = #map}, {transform_indices = #map1}, {transform_indices = #map1}]} {
    %mul3A = arith.constant 2 : i32
    %mul3A_0 = arith.muli %arg1, %mul3A : i32
    %add3A = arith.addi %mul3A_0, %arg0 : i32
    %dma_start3A = arith.constant 0 : i32
    %dma_start3A_1 = arith.constant 0 : i32
    %dma_start3A_2 = tpu.memref_slice %arg3[%add3A, %dma_start3A, %dma_start3A_1] : memref<32x8x64xi32, #tpu.memory_space<hbm>> -> memref<1x8x64xi32, #tpu.memory_space<hbm>>
    %dma_start3A_3 = tpu.memref_squeeze %dma_start3A_2 : memref<1x8x64xi32, #tpu.memory_space<hbm>> -> memref<8x64xi32, #tpu.memory_space<hbm>>
    %dma_start3A_4 = arith.constant 0 : i32
    %dma_start3A_5 = arith.constant 0 : i32
    %dma_start3A_6 = tpu.memref_slice %arg3[%add3A, %dma_start3A_4, %dma_start3A_5] : memref<32x8x64xi32, #tpu.memory_space<hbm>> -> memref<1x8x64xi32, #tpu.memory_space<hbm>>
    %dma_start3A_7 = tpu.memref_squeeze %dma_start3A_6 : memref<1x8x64xi32, #tpu.memory_space<hbm>> -> memref<8x64xi32, #tpu.memory_space<hbm>>
    tpu.enqueue_dma source(%dma_start3A_7 : memref<8x64xi32, #tpu.memory_space<hbm>>) target(%arg6 : memref<8x64xi32, #tpu.memory_space<vmem>>) target_semaphore(%arg16 : memref<!tpu.dma_semaphore, #tpu.memory_space<semaphore_mem>>)
    %lt3A = arith.constant 15 : i32
    %lt3A_8 = arith.cmpi slt, %arg1, %lt3A : i32
    %convert_element_type3A = arith.extui %lt3A_8 : i1 to i32
    %cond3A = arith.constant 0 : i32
    %cond3A_9 = arith.cmpi ne, %convert_element_type3A, %cond3A : i32
    scf.if %cond3A_9 {
      %mul3A_405 = arith.constant 64 : i32
      %mul3A_406 = arith.muli %arg1, %mul3A_405 : i32
      %mul3A_407 = arith.constant 64 : i32
      %mul3A_408 = arith.muli %arg1, %mul3A_407 : i32
      "tpu.region"() ({
        %run_scoped3A = tpu.sem_alloc : memref<!tpu.dma_semaphore, #tpu.memory_space<semaphore_mem>>
        %dma_start3A_409 = arith.constant 0 : i32
        %dma_start3A_410 = tpu.memref_slice %arg5[%mul3A_408, %dma_start3A_409] : memref<1000x128xf32, #tpu.memory_space<vmem_shared>> -> memref<64x128xf32, #tpu.memory_space<vmem_shared>>
        %dma_start3A_411 = arith.constant 0 : i32
        %dma_start3A_412 = tpu.memref_slice %arg2[%mul3A_406, %dma_start3A_411] : memref<1000x128xf32, #tpu.memory_space<hbm>> -> memref<64x128xf32, #tpu.memory_space<hbm>>
        tpu.enqueue_dma source(%dma_start3A_412 : memref<64x128xf32, #tpu.memory_space<hbm>>) target(%dma_start3A_410 : memref<64x128xf32, #tpu.memory_space<vmem_shared>>) target_semaphore(%run_scoped3A : memref<!tpu.dma_semaphore, #tpu.memory_space<semaphore_mem>>)
        %dma_wait3A_413 = arith.constant 0 : i32
        %dma_wait3A_414 = tpu.memref_slice %arg5[%mul3A_408, %dma_wait3A_413] : memref<1000x128xf32, #tpu.memory_space<vmem_shared>> -> memref<64x128xf32, #tpu.memory_space<vmem_shared>>
        %dma_wait3A_415 = arith.constant 0 : i32
        %dma_wait3A_416 = tpu.memref_slice %arg2[%mul3A_406, %dma_wait3A_415] : memref<1000x128xf32, #tpu.memory_space<hbm>> -> memref<64x128xf32, #tpu.memory_space<hbm>>
        tpu.wait_dma2 semaphore(%run_scoped3A : memref<!tpu.dma_semaphore, #tpu.memory_space<semaphore_mem>>) src(%dma_wait3A_416 : memref<64x128xf32, #tpu.memory_space<hbm>>) dst(%dma_wait3A_414 : memref<64x128xf32, #tpu.memory_space<vmem_shared>>)
        tpu.yield
      }) : () -> ()
    } else {
    }
    %eq3A = arith.constant 15 : i32
    %eq3A_10 = arith.cmpi eq, %arg1, %eq3A : i32
    %convert_element_type3A_11 = arith.extui %eq3A_10 : i1 to i32
    %cond3A_12 = arith.constant 0 : i32
    %cond3A_13 = arith.cmpi ne, %convert_element_type3A_11, %cond3A_12 : i32
    scf.if %cond3A_13 {
      "tpu.region"() ({
        %run_scoped3A = tpu.sem_alloc : memref<!tpu.dma_semaphore, #tpu.memory_space<semaphore_mem>>
        %dma_start3A_405 = arith.constant 960 : i32
        %dma_start3A_406 = arith.constant 0 : i32
        %dma_start3A_407 = tpu.memref_slice %arg5[%dma_start3A_405, %dma_start3A_406] : memref<1000x128xf32, #tpu.memory_space<vmem_shared>> -> memref<40x128xf32, #tpu.memory_space<vmem_shared>>
        %dma_start3A_408 = arith.constant 960 : i32
        %dma_start3A_409 = arith.constant 0 : i32
        %dma_start3A_410 = tpu.memref_slice %arg2[%dma_start3A_408, %dma_start3A_409] : memref<1000x128xf32, #tpu.memory_space<hbm>> -> memref<40x128xf32, #tpu.memory_space<hbm>>
        tpu.enqueue_dma source(%dma_start3A_410 : memref<40x128xf32, #tpu.memory_space<hbm>>) target(%dma_start3A_407 : memref<40x128xf32, #tpu.memory_space<vmem_shared>>) target_semaphore(%run_scoped3A : memref<!tpu.dma_semaphore, #tpu.memory_space<semaphore_mem>>)
        %dma_wait3A_411 = arith.constant 960 : i32
        %dma_wait3A_412 = arith.constant 0 : i32
        %dma_wait3A_413 = tpu.memref_slice %arg5[%dma_wait3A_411, %dma_wait3A_412] : memref<1000x128xf32, #tpu.memory_space<vmem_shared>> -> memref<40x128xf32, #tpu.memory_space<vmem_shared>>
        %dma_wait3A_414 = arith.constant 960 : i32
        %dma_wait3A_415 = arith.constant 0 : i32
        %dma_wait3A_416 = tpu.memref_slice %arg2[%dma_wait3A_414, %dma_wait3A_415] : memref<1000x128xf32, #tpu.memory_space<hbm>> -> memref<40x128xf32, #tpu.memory_space<hbm>>
        tpu.wait_dma2 semaphore(%run_scoped3A : memref<!tpu.dma_semaphore, #tpu.memory_space<semaphore_mem>>) src(%dma_wait3A_416 : memref<40x128xf32, #tpu.memory_space<hbm>>) dst(%dma_wait3A_413 : memref<40x128xf32, #tpu.memory_space<vmem_shared>>)
        tpu.yield
      }) : () -> ()
    } else {
    }
    %dma_wait3A = arith.constant 0 : i32
    %dma_wait3A_14 = arith.constant 0 : i32
    %dma_wait3A_15 = tpu.memref_slice %arg3[%add3A, %dma_wait3A, %dma_wait3A_14] : memref<32x8x64xi32, #tpu.memory_space<hbm>> -> memref<1x8x64xi32, #tpu.memory_space<hbm>>
    %dma_wait3A_16 = tpu.memref_squeeze %dma_wait3A_15 : memref<1x8x64xi32, #tpu.memory_space<hbm>> -> memref<8x64xi32, #tpu.memory_space<hbm>>
    %dma_wait3A_17 = arith.constant 0 : i32
    %dma_wait3A_18 = arith.constant 0 : i32
    %dma_wait3A_19 = tpu.memref_slice %arg3[%add3A, %dma_wait3A_17, %dma_wait3A_18] : memref<32x8x64xi32, #tpu.memory_space<hbm>> -> memref<1x8x64xi32, #tpu.memory_space<hbm>>
    %dma_wait3A_20 = tpu.memref_squeeze %dma_wait3A_19 : memref<1x8x64xi32, #tpu.memory_space<hbm>> -> memref<8x64xi32, #tpu.memory_space<hbm>>
    tpu.wait_dma2 semaphore(%arg16 : memref<!tpu.dma_semaphore, #tpu.memory_space<semaphore_mem>>) src(%dma_wait3A_20 : memref<8x64xi32, #tpu.memory_space<hbm>>) dst(%arg6 : memref<8x64xi32, #tpu.memory_space<vmem>>)
    %barrier3A = arith.constant 0 : index
    tpu.barrier barrier_id(%barrier3A)
    %dma_start3A_21 = arith.constant 0 : i32
    %dma_start3A_22 = arith.constant 0 : i32
    %dma_start3A_23 = arith.constant 0 : i32
    %dma_start3A_24 = tpu.memref_slice %arg7[%dma_start3A_22, %dma_start3A_23] : memref<512x128xf32, #tpu.memory_space<vmem>> -> memref<64x128xf32, #tpu.memory_space<vmem>>
    %dma_start3A_25 = arith.constant 0 : i32
    %dma_start3A_26 = tpu.memref_slice %arg6[%dma_start3A_21, %dma_start3A_25] : memref<8x64xi32, #tpu.memory_space<vmem>> -> memref<1x64xi32, #tpu.memory_space<vmem>>
    %dma_start3A_27 = tpu.memref_squeeze %dma_start3A_26 : memref<1x64xi32, #tpu.memory_space<vmem>> -> memref<64xi32, #tpu.memory_space<vmem>>
    %dma_start3A_28 = arith.constant 0 : i32
    %dma_start3A_29 = arith.constant 0 : i32
    %dma_start3A_30 = tpu.memref_slice %arg5[%dma_start3A_28, %dma_start3A_29] : memref<1000x128xf32, #tpu.memory_space<vmem_shared>> -> memref<1000x128xf32, #tpu.memory_space<vmem_shared>>
    tpu.enqueue_indirect_dma source(%dma_start3A_30 : memref<1000x128xf32, #tpu.memory_space<vmem_shared>>) target(%dma_start3A_24 : memref<64x128xf32, #tpu.memory_space<vmem>>) offsets(%dma_start3A_27 : memref<64xi32, #tpu.memory_space<vmem>>) semaphore(%arg8 : memref<!tpu.dma_semaphore, #tpu.memory_space<semaphore_mem>>)
    %dma_start3A_31 = arith.constant 1 : i32
    %dma_start3A_32 = arith.constant 64 : i32
    %dma_start3A_33 = arith.constant 0 : i32
    %dma_start3A_34 = tpu.memref_slice %arg7[%dma_start3A_32, %dma_start3A_33] : memref<512x128xf32, #tpu.memory_space<vmem>> -> memref<64x128xf32, #tpu.memory_space<vmem>>
    %dma_start3A_35 = arith.constant 0 : i32
    %dma_start3A_36 = tpu.memref_slice %arg6[%dma_start3A_31, %dma_start3A_35] : memref<8x64xi32, #tpu.memory_space<vmem>> -> memref<1x64xi32, #tpu.memory_space<vmem>>
    %dma_start3A_37 = tpu.memref_squeeze %dma_start3A_36 : memref<1x64xi32, #tpu.memory_space<vmem>> -> memref<64xi32, #tpu.memory_space<vmem>>
    %dma_start3A_38 = arith.constant 0 : i32
    %dma_start3A_39 = arith.constant 0 : i32
    %dma_start3A_40 = tpu.memref_slice %arg5[%dma_start3A_38, %dma_start3A_39] : memref<1000x128xf32, #tpu.memory_space<vmem_shared>> -> memref<1000x128xf32, #tpu.memory_space<vmem_shared>>
    tpu.enqueue_indirect_dma source(%dma_start3A_40 : memref<1000x128xf32, #tpu.memory_space<vmem_shared>>) target(%dma_start3A_34 : memref<64x128xf32, #tpu.memory_space<vmem>>) offsets(%dma_start3A_37 : memref<64xi32, #tpu.memory_space<vmem>>) semaphore(%arg9 : memref<!tpu.dma_semaphore, #tpu.memory_space<semaphore_mem>>)
    %dma_start3A_41 = arith.constant 2 : i32
    %dma_start3A_42 = arith.constant 128 : i32
    %dma_start3A_43 = arith.constant 0 : i32
    %dma_start3A_44 = tpu.memref_slice %arg7[%dma_start3A_42, %dma_start3A_43] : memref<512x128xf32, #tpu.memory_space<vmem>> -> memref<64x128xf32, #tpu.memory_space<vmem>>
    %dma_start3A_45 = arith.constant 0 : i32
    %dma_start3A_46 = tpu.memref_slice %arg6[%dma_start3A_41, %dma_start3A_45] : memref<8x64xi32, #tpu.memory_space<vmem>> -> memref<1x64xi32, #tpu.memory_space<vmem>>
    %dma_start3A_47 = tpu.memref_squeeze %dma_start3A_46 : memref<1x64xi32, #tpu.memory_space<vmem>> -> memref<64xi32, #tpu.memory_space<vmem>>
    %dma_start3A_48 = arith.constant 0 : i32
    %dma_start3A_49 = arith.constant 0 : i32
    %dma_start3A_50 = tpu.memref_slice %arg5[%dma_start3A_48, %dma_start3A_49] : memref<1000x128xf32, #tpu.memory_space<vmem_shared>> -> memref<1000x128xf32, #tpu.memory_space<vmem_shared>>
    tpu.enqueue_indirect_dma source(%dma_start3A_50 : memref<1000x128xf32, #tpu.memory_space<vmem_shared>>) target(%dma_start3A_44 : memref<64x128xf32, #tpu.memory_space<vmem>>) offsets(%dma_start3A_47 : memref<64xi32, #tpu.memory_space<vmem>>) semaphore(%arg10 : memref<!tpu.dma_semaphore, #tpu.memory_space<semaphore_mem>>)
    %dma_start3A_51 = arith.constant 3 : i32
    %dma_start3A_52 = arith.constant 192 : i32
    %dma_start3A_53 = arith.constant 0 : i32
    %dma_start3A_54 = tpu.memref_slice %arg7[%dma_start3A_52, %dma_start3A_53] : memref<512x128xf32, #tpu.memory_space<vmem>> -> memref<64x128xf32, #tpu.memory_space<vmem>>
    %dma_start3A_55 = arith.constant 0 : i32
    %dma_start3A_56 = tpu.memref_slice %arg6[%dma_start3A_51, %dma_start3A_55] : memref<8x64xi32, #tpu.memory_space<vmem>> -> memref<1x64xi32, #tpu.memory_space<vmem>>
    %dma_start3A_57 = tpu.memref_squeeze %dma_start3A_56 : memref<1x64xi32, #tpu.memory_space<vmem>> -> memref<64xi32, #tpu.memory_space<vmem>>
    %dma_start3A_58 = arith.constant 0 : i32
    %dma_start3A_59 = arith.constant 0 : i32
    %dma_start3A_60 = tpu.memref_slice %arg5[%dma_start3A_58, %dma_start3A_59] : memref<1000x128xf32, #tpu.memory_space<vmem_shared>> -> memref<1000x128xf32, #tpu.memory_space<vmem_shared>>
    tpu.enqueue_indirect_dma source(%dma_start3A_60 : memref<1000x128xf32, #tpu.memory_space<vmem_shared>>) target(%dma_start3A_54 : memref<64x128xf32, #tpu.memory_space<vmem>>) offsets(%dma_start3A_57 : memref<64xi32, #tpu.memory_space<vmem>>) semaphore(%arg11 : memref<!tpu.dma_semaphore, #tpu.memory_space<semaphore_mem>>)
    %dma_start3A_61 = arith.constant 4 : i32
    %dma_start3A_62 = arith.constant 256 : i32
    %dma_start3A_63 = arith.constant 0 : i32
    %dma_start3A_64 = tpu.memref_slice %arg7[%dma_start3A_62, %dma_start3A_63] : memref<512x128xf32, #tpu.memory_space<vmem>> -> memref<64x128xf32, #tpu.memory_space<vmem>>
    %dma_start3A_65 = arith.constant 0 : i32
    %dma_start3A_66 = tpu.memref_slice %arg6[%dma_start3A_61, %dma_start3A_65] : memref<8x64xi32, #tpu.memory_space<vmem>> -> memref<1x64xi32, #tpu.memory_space<vmem>>
    %dma_start3A_67 = tpu.memref_squeeze %dma_start3A_66 : memref<1x64xi32, #tpu.memory_space<vmem>> -> memref<64xi32, #tpu.memory_space<vmem>>
    %dma_start3A_68 = arith.constant 0 : i32
    %dma_start3A_69 = arith.constant 0 : i32
    %dma_start3A_70 = tpu.memref_slice %arg5[%dma_start3A_68, %dma_start3A_69] : memref<1000x128xf32, #tpu.memory_space<vmem_shared>> -> memref<1000x128xf32, #tpu.memory_space<vmem_shared>>
    tpu.enqueue_indirect_dma source(%dma_start3A_70 : memref<1000x128xf32, #tpu.memory_space<vmem_shared>>) target(%dma_start3A_64 : memref<64x128xf32, #tpu.memory_space<vmem>>) offsets(%dma_start3A_67 : memref<64xi32, #tpu.memory_space<vmem>>) semaphore(%arg12 : memref<!tpu.dma_semaphore, #tpu.memory_space<semaphore_mem>>)
    %dma_start3A_71 = arith.constant 5 : i32
    %dma_start3A_72 = arith.constant 320 : i32
    %dma_start3A_73 = arith.constant 0 : i32
    %dma_start3A_74 = tpu.memref_slice %arg7[%dma_start3A_72, %dma_start3A_73] : memref<512x128xf32, #tpu.memory_space<vmem>> -> memref<64x128xf32, #tpu.memory_space<vmem>>
    %dma_start3A_75 = arith.constant 0 : i32
    %dma_start3A_76 = tpu.memref_slice %arg6[%dma_start3A_71, %dma_start3A_75] : memref<8x64xi32, #tpu.memory_space<vmem>> -> memref<1x64xi32, #tpu.memory_space<vmem>>
    %dma_start3A_77 = tpu.memref_squeeze %dma_start3A_76 : memref<1x64xi32, #tpu.memory_space<vmem>> -> memref<64xi32, #tpu.memory_space<vmem>>
    %dma_start3A_78 = arith.constant 0 : i32
    %dma_start3A_79 = arith.constant 0 : i32
    %dma_start3A_80 = tpu.memref_slice %arg5[%dma_start3A_78, %dma_start3A_79] : memref<1000x128xf32, #tpu.memory_space<vmem_shared>> -> memref<1000x128xf32, #tpu.memory_space<vmem_shared>>
    tpu.enqueue_indirect_dma source(%dma_start3A_80 : memref<1000x128xf32, #tpu.memory_space<vmem_shared>>) target(%dma_start3A_74 : memref<64x128xf32, #tpu.memory_space<vmem>>) offsets(%dma_start3A_77 : memref<64xi32, #tpu.memory_space<vmem>>) semaphore(%arg13 : memref<!tpu.dma_semaphore, #tpu.memory_space<semaphore_mem>>)
    %dma_start3A_81 = arith.constant 6 : i32
    %dma_start3A_82 = arith.constant 384 : i32
    %dma_start3A_83 = arith.constant 0 : i32
    %dma_start3A_84 = tpu.memref_slice %arg7[%dma_start3A_82, %dma_start3A_83] : memref<512x128xf32, #tpu.memory_space<vmem>> -> memref<64x128xf32, #tpu.memory_space<vmem>>
    %dma_start3A_85 = arith.constant 0 : i32
    %dma_start3A_86 = tpu.memref_slice %arg6[%dma_start3A_81, %dma_start3A_85] : memref<8x64xi32, #tpu.memory_space<vmem>> -> memref<1x64xi32, #tpu.memory_space<vmem>>
    %dma_start3A_87 = tpu.memref_squeeze %dma_start3A_86 : memref<1x64xi32, #tpu.memory_space<vmem>> -> memref<64xi32, #tpu.memory_space<vmem>>
    %dma_start3A_88 = arith.constant 0 : i32
    %dma_start3A_89 = arith.constant 0 : i32
    %dma_start3A_90 = tpu.memref_slice %arg5[%dma_start3A_88, %dma_start3A_89] : memref<1000x128xf32, #tpu.memory_space<vmem_shared>> -> memref<1000x128xf32, #tpu.memory_space<vmem_shared>>
    tpu.enqueue_indirect_dma source(%dma_start3A_90 : memref<1000x128xf32, #tpu.memory_space<vmem_shared>>) target(%dma_start3A_84 : memref<64x128xf32, #tpu.memory_space<vmem>>) offsets(%dma_start3A_87 : memref<64xi32, #tpu.memory_space<vmem>>) semaphore(%arg14 : memref<!tpu.dma_semaphore, #tpu.memory_space<semaphore_mem>>)
    %dma_start3A_91 = arith.constant 7 : i32
    %dma_start3A_92 = arith.constant 448 : i32
    %dma_start3A_93 = arith.constant 0 : i32
    %dma_start3A_94 = tpu.memref_slice %arg7[%dma_start3A_92, %dma_start3A_93] : memref<512x128xf32, #tpu.memory_space<vmem>> -> memref<64x128xf32, #tpu.memory_space<vmem>>
    %dma_start3A_95 = arith.constant 0 : i32
    %dma_start3A_96 = tpu.memref_slice %arg6[%dma_start3A_91, %dma_start3A_95] : memref<8x64xi32, #tpu.memory_space<vmem>> -> memref<1x64xi32, #tpu.memory_space<vmem>>
    %dma_start3A_97 = tpu.memref_squeeze %dma_start3A_96 : memref<1x64xi32, #tpu.memory_space<vmem>> -> memref<64xi32, #tpu.memory_space<vmem>>
    %dma_start3A_98 = arith.constant 0 : i32
    %dma_start3A_99 = arith.constant 0 : i32
    %dma_start3A_100 = tpu.memref_slice %arg5[%dma_start3A_98, %dma_start3A_99] : memref<1000x128xf32, #tpu.memory_space<vmem_shared>> -> memref<1000x128xf32, #tpu.memory_space<vmem_shared>>
    tpu.enqueue_indirect_dma source(%dma_start3A_100 : memref<1000x128xf32, #tpu.memory_space<vmem_shared>>) target(%dma_start3A_94 : memref<64x128xf32, #tpu.memory_space<vmem>>) offsets(%dma_start3A_97 : memref<64xi32, #tpu.memory_space<vmem>>) semaphore(%arg15 : memref<!tpu.dma_semaphore, #tpu.memory_space<semaphore_mem>>)
    %dma_wait3A_101 = arith.constant 0 : i32
    %dma_wait3A_102 = arith.constant 0 : i32
    %dma_wait3A_103 = arith.constant 0 : i32
    %dma_wait3A_104 = tpu.memref_slice %arg7[%dma_wait3A_102, %dma_wait3A_103] : memref<512x128xf32, #tpu.memory_space<vmem>> -> memref<64x128xf32, #tpu.memory_space<vmem>>
    %dma_wait3A_105 = arith.constant 0 : i32
    %dma_wait3A_106 = tpu.memref_slice %arg6[%dma_wait3A_101, %dma_wait3A_105] : memref<8x64xi32, #tpu.memory_space<vmem>> -> memref<1x64xi32, #tpu.memory_space<vmem>>
    %dma_wait3A_107 = tpu.memref_squeeze %dma_wait3A_106 : memref<1x64xi32, #tpu.memory_space<vmem>> -> memref<64xi32, #tpu.memory_space<vmem>>
    %dma_wait3A_108 = arith.constant 0 : i32
    %dma_wait3A_109 = arith.constant 0 : i32
    %dma_wait3A_110 = tpu.memref_slice %arg5[%dma_wait3A_108, %dma_wait3A_109] : memref<1000x128xf32, #tpu.memory_space<vmem_shared>> -> memref<1000x128xf32, #tpu.memory_space<vmem_shared>>
    tpu.wait_indirect_dma semaphore(%arg8 : memref<!tpu.dma_semaphore, #tpu.memory_space<semaphore_mem>>) src(%dma_wait3A_110 : memref<1000x128xf32, #tpu.memory_space<vmem_shared>>) dst(%dma_wait3A_104 : memref<64x128xf32, #tpu.memory_space<vmem>>)
    %dma_start3A_111 = arith.constant 0 : i32
    %dma_start3A_112 = arith.constant 0 : i32
    %dma_start3A_113 = tpu.memref_slice %arg7[%dma_start3A_111, %dma_start3A_112] : memref<512x128xf32, #tpu.memory_space<vmem>> -> memref<64x128xf32, #tpu.memory_space<vmem>>
    %dma_start3A_114 = arith.constant 0 : i32
    %dma_start3A_115 = arith.constant 0 : i32
    %dma_start3A_116 = tpu.memref_slice %arg4[%add3A, %dma_start3A_114, %dma_start3A_115] : memref<32x512x128xf32, #tpu.memory_space<hbm>> -> memref<1x64x128xf32, #tpu.memory_space<hbm>>
    %dma_start3A_117 = tpu.memref_squeeze %dma_start3A_116 : memref<1x64x128xf32, #tpu.memory_space<hbm>> -> memref<64x128xf32, #tpu.memory_space<hbm>>
    %dma_start3A_118 = arith.constant 0 : i32
    %dma_start3A_119 = arith.constant 0 : i32
    %dma_start3A_120 = tpu.memref_slice %arg4[%add3A, %dma_start3A_118, %dma_start3A_119] : memref<32x512x128xf32, #tpu.memory_space<hbm>> -> memref<1x64x128xf32, #tpu.memory_space<hbm>>
    %dma_start3A_121 = tpu.memref_squeeze %dma_start3A_120 : memref<1x64x128xf32, #tpu.memory_space<hbm>> -> memref<64x128xf32, #tpu.memory_space<hbm>>
    %dma_start3A_122 = arith.constant 0 : i32
    %dma_start3A_123 = arith.constant 0 : i32
    %dma_start3A_124 = tpu.memref_slice %arg7[%dma_start3A_122, %dma_start3A_123] : memref<512x128xf32, #tpu.memory_space<vmem>> -> memref<64x128xf32, #tpu.memory_space<vmem>>
    tpu.enqueue_dma source(%dma_start3A_124 : memref<64x128xf32, #tpu.memory_space<vmem>>) target(%dma_start3A_121 : memref<64x128xf32, #tpu.memory_space<hbm>>) target_semaphore(%arg16 : memref<!tpu.dma_semaphore, #tpu.memory_space<semaphore_mem>>)
    %dma_wait3A_125 = arith.constant 1 : i32
    %dma_wait3A_126 = arith.constant 64 : i32
    %dma_wait3A_127 = arith.constant 0 : i32
    %dma_wait3A_128 = tpu.memref_slice %arg7[%dma_wait3A_126, %dma_wait3A_127] : memref<512x128xf32, #tpu.memory_space<vmem>> -> memref<64x128xf32, #tpu.memory_space<vmem>>
    %dma_wait3A_129 = arith.constant 0 : i32
    %dma_wait3A_130 = tpu.memref_slice %arg6[%dma_wait3A_125, %dma_wait3A_129] : memref<8x64xi32, #tpu.memory_space<vmem>> -> memref<1x64xi32, #tpu.memory_space<vmem>>
    %dma_wait3A_131 = tpu.memref_squeeze %dma_wait3A_130 : memref<1x64xi32, #tpu.memory_space<vmem>> -> memref<64xi32, #tpu.memory_space<vmem>>
    %dma_wait3A_132 = arith.constant 0 : i32
    %dma_wait3A_133 = arith.constant 0 : i32
    %dma_wait3A_134 = tpu.memref_slice %arg5[%dma_wait3A_132, %dma_wait3A_133] : memref<1000x128xf32, #tpu.memory_space<vmem_shared>> -> memref<1000x128xf32, #tpu.memory_space<vmem_shared>>
    tpu.wait_indirect_dma semaphore(%arg9 : memref<!tpu.dma_semaphore, #tpu.memory_space<semaphore_mem>>) src(%dma_wait3A_134 : memref<1000x128xf32, #tpu.memory_space<vmem_shared>>) dst(%dma_wait3A_128 : memref<64x128xf32, #tpu.memory_space<vmem>>)
    %dma_start3A_135 = arith.constant 64 : i32
    %dma_start3A_136 = arith.constant 0 : i32
    %dma_start3A_137 = tpu.memref_slice %arg7[%dma_start3A_135, %dma_start3A_136] : memref<512x128xf32, #tpu.memory_space<vmem>> -> memref<64x128xf32, #tpu.memory_space<vmem>>
    %dma_start3A_138 = arith.constant 64 : i32
    %dma_start3A_139 = arith.constant 0 : i32
    %dma_start3A_140 = tpu.memref_slice %arg4[%add3A, %dma_start3A_138, %dma_start3A_139] : memref<32x512x128xf32, #tpu.memory_space<hbm>> -> memref<1x64x128xf32, #tpu.memory_space<hbm>>
    %dma_start3A_141 = tpu.memref_squeeze %dma_start3A_140 : memref<1x64x128xf32, #tpu.memory_space<hbm>> -> memref<64x128xf32, #tpu.memory_space<hbm>>
    %dma_start3A_142 = arith.constant 64 : i32
    %dma_start3A_143 = arith.constant 0 : i32
    %dma_start3A_144 = tpu.memref_slice %arg4[%add3A, %dma_start3A_142, %dma_start3A_143] : memref<32x512x128xf32, #tpu.memory_space<hbm>> -> memref<1x64x128xf32, #tpu.memory_space<hbm>>
    %dma_start3A_145 = tpu.memref_squeeze %dma_start3A_144 : memref<1x64x128xf32, #tpu.memory_space<hbm>> -> memref<64x128xf32, #tpu.memory_space<hbm>>
    %dma_start3A_146 = arith.constant 64 : i32
    %dma_start3A_147 = arith.constant 0 : i32
    %dma_start3A_148 = tpu.memref_slice %arg7[%dma_start3A_146, %dma_start3A_147] : memref<512x128xf32, #tpu.memory_space<vmem>> -> memref<64x128xf32, #tpu.memory_space<vmem>>
    tpu.enqueue_dma source(%dma_start3A_148 : memref<64x128xf32, #tpu.memory_space<vmem>>) target(%dma_start3A_145 : memref<64x128xf32, #tpu.memory_space<hbm>>) target_semaphore(%arg16 : memref<!tpu.dma_semaphore, #tpu.memory_space<semaphore_mem>>)
    %dma_wait3A_149 = arith.constant 2 : i32
    %dma_wait3A_150 = arith.constant 128 : i32
    %dma_wait3A_151 = arith.constant 0 : i32
    %dma_wait3A_152 = tpu.memref_slice %arg7[%dma_wait3A_150, %dma_wait3A_151] : memref<512x128xf32, #tpu.memory_space<vmem>> -> memref<64x128xf32, #tpu.memory_space<vmem>>
    %dma_wait3A_153 = arith.constant 0 : i32
    %dma_wait3A_154 = tpu.memref_slice %arg6[%dma_wait3A_149, %dma_wait3A_153] : memref<8x64xi32, #tpu.memory_space<vmem>> -> memref<1x64xi32, #tpu.memory_space<vmem>>
    %dma_wait3A_155 = tpu.memref_squeeze %dma_wait3A_154 : memref<1x64xi32, #tpu.memory_space<vmem>> -> memref<64xi32, #tpu.memory_space<vmem>>
    %dma_wait3A_156 = arith.constant 0 : i32
    %dma_wait3A_157 = arith.constant 0 : i32
    %dma_wait3A_158 = tpu.memref_slice %arg5[%dma_wait3A_156, %dma_wait3A_157] : memref<1000x128xf32, #tpu.memory_space<vmem_shared>> -> memref<1000x128xf32, #tpu.memory_space<vmem_shared>>
    tpu.wait_indirect_dma semaphore(%arg10 : memref<!tpu.dma_semaphore, #tpu.memory_space<semaphore_mem>>) src(%dma_wait3A_158 : memref<1000x128xf32, #tpu.memory_space<vmem_shared>>) dst(%dma_wait3A_152 : memref<64x128xf32, #tpu.memory_space<vmem>>)
    %dma_start3A_159 = arith.constant 128 : i32
    %dma_start3A_160 = arith.constant 0 : i32
    %dma_start3A_161 = tpu.memref_slice %arg7[%dma_start3A_159, %dma_start3A_160] : memref<512x128xf32, #tpu.memory_space<vmem>> -> memref<64x128xf32, #tpu.memory_space<vmem>>
    %dma_start3A_162 = arith.constant 128 : i32
    %dma_start3A_163 = arith.constant 0 : i32
    %dma_start3A_164 = tpu.memref_slice %arg4[%add3A, %dma_start3A_162, %dma_start3A_163] : memref<32x512x128xf32, #tpu.memory_space<hbm>> -> memref<1x64x128xf32, #tpu.memory_space<hbm>>
    %dma_start3A_165 = tpu.memref_squeeze %dma_start3A_164 : memref<1x64x128xf32, #tpu.memory_space<hbm>> -> memref<64x128xf32, #tpu.memory_space<hbm>>
    %dma_start3A_166 = arith.constant 128 : i32
    %dma_start3A_167 = arith.constant 0 : i32
    %dma_start3A_168 = tpu.memref_slice %arg4[%add3A, %dma_start3A_166, %dma_start3A_167] : memref<32x512x128xf32, #tpu.memory_space<hbm>> -> memref<1x64x128xf32, #tpu.memory_space<hbm>>
    %dma_start3A_169 = tpu.memref_squeeze %dma_start3A_168 : memref<1x64x128xf32, #tpu.memory_space<hbm>> -> memref<64x128xf32, #tpu.memory_space<hbm>>
    %dma_start3A_170 = arith.constant 128 : i32
    %dma_start3A_171 = arith.constant 0 : i32
    %dma_start3A_172 = tpu.memref_slice %arg7[%dma_start3A_170, %dma_start3A_171] : memref<512x128xf32, #tpu.memory_space<vmem>> -> memref<64x128xf32, #tpu.memory_space<vmem>>
    tpu.enqueue_dma source(%dma_start3A_172 : memref<64x128xf32, #tpu.memory_space<vmem>>) target(%dma_start3A_169 : memref<64x128xf32, #tpu.memory_space<hbm>>) target_semaphore(%arg16 : memref<!tpu.dma_semaphore, #tpu.memory_space<semaphore_mem>>)
    %dma_wait3A_173 = arith.constant 3 : i32
    %dma_wait3A_174 = arith.constant 192 : i32
    %dma_wait3A_175 = arith.constant 0 : i32
    %dma_wait3A_176 = tpu.memref_slice %arg7[%dma_wait3A_174, %dma_wait3A_175] : memref<512x128xf32, #tpu.memory_space<vmem>> -> memref<64x128xf32, #tpu.memory_space<vmem>>
    %dma_wait3A_177 = arith.constant 0 : i32
    %dma_wait3A_178 = tpu.memref_slice %arg6[%dma_wait3A_173, %dma_wait3A_177] : memref<8x64xi32, #tpu.memory_space<vmem>> -> memref<1x64xi32, #tpu.memory_space<vmem>>
    %dma_wait3A_179 = tpu.memref_squeeze %dma_wait3A_178 : memref<1x64xi32, #tpu.memory_space<vmem>> -> memref<64xi32, #tpu.memory_space<vmem>>
    %dma_wait3A_180 = arith.constant 0 : i32
    %dma_wait3A_181 = arith.constant 0 : i32
    %dma_wait3A_182 = tpu.memref_slice %arg5[%dma_wait3A_180, %dma_wait3A_181] : memref<1000x128xf32, #tpu.memory_space<vmem_shared>> -> memref<1000x128xf32, #tpu.memory_space<vmem_shared>>
    tpu.wait_indirect_dma semaphore(%arg11 : memref<!tpu.dma_semaphore, #tpu.memory_space<semaphore_mem>>) src(%dma_wait3A_182 : memref<1000x128xf32, #tpu.memory_space<vmem_shared>>) dst(%dma_wait3A_176 : memref<64x128xf32, #tpu.memory_space<vmem>>)
    %dma_start3A_183 = arith.constant 192 : i32
    %dma_start3A_184 = arith.constant 0 : i32
    %dma_start3A_185 = tpu.memref_slice %arg7[%dma_start3A_183, %dma_start3A_184] : memref<512x128xf32, #tpu.memory_space<vmem>> -> memref<64x128xf32, #tpu.memory_space<vmem>>
    %dma_start3A_186 = arith.constant 192 : i32
    %dma_start3A_187 = arith.constant 0 : i32
    %dma_start3A_188 = tpu.memref_slice %arg4[%add3A, %dma_start3A_186, %dma_start3A_187] : memref<32x512x128xf32, #tpu.memory_space<hbm>> -> memref<1x64x128xf32, #tpu.memory_space<hbm>>
    %dma_start3A_189 = tpu.memref_squeeze %dma_start3A_188 : memref<1x64x128xf32, #tpu.memory_space<hbm>> -> memref<64x128xf32, #tpu.memory_space<hbm>>
    %dma_start3A_190 = arith.constant 192 : i32
    %dma_start3A_191 = arith.constant 0 : i32
    %dma_start3A_192 = tpu.memref_slice %arg4[%add3A, %dma_start3A_190, %dma_start3A_191] : memref<32x512x128xf32, #tpu.memory_space<hbm>> -> memref<1x64x128xf32, #tpu.memory_space<hbm>>
    %dma_start3A_193 = tpu.memref_squeeze %dma_start3A_192 : memref<1x64x128xf32, #tpu.memory_space<hbm>> -> memref<64x128xf32, #tpu.memory_space<hbm>>
    %dma_start3A_194 = arith.constant 192 : i32
    %dma_start3A_195 = arith.constant 0 : i32
    %dma_start3A_196 = tpu.memref_slice %arg7[%dma_start3A_194, %dma_start3A_195] : memref<512x128xf32, #tpu.memory_space<vmem>> -> memref<64x128xf32, #tpu.memory_space<vmem>>
    tpu.enqueue_dma source(%dma_start3A_196 : memref<64x128xf32, #tpu.memory_space<vmem>>) target(%dma_start3A_193 : memref<64x128xf32, #tpu.memory_space<hbm>>) target_semaphore(%arg16 : memref<!tpu.dma_semaphore, #tpu.memory_space<semaphore_mem>>)
    %dma_wait3A_197 = arith.constant 4 : i32
    %dma_wait3A_198 = arith.constant 256 : i32
    %dma_wait3A_199 = arith.constant 0 : i32
    %dma_wait3A_200 = tpu.memref_slice %arg7[%dma_wait3A_198, %dma_wait3A_199] : memref<512x128xf32, #tpu.memory_space<vmem>> -> memref<64x128xf32, #tpu.memory_space<vmem>>
    %dma_wait3A_201 = arith.constant 0 : i32
    %dma_wait3A_202 = tpu.memref_slice %arg6[%dma_wait3A_197, %dma_wait3A_201] : memref<8x64xi32, #tpu.memory_space<vmem>> -> memref<1x64xi32, #tpu.memory_space<vmem>>
    %dma_wait3A_203 = tpu.memref_squeeze %dma_wait3A_202 : memref<1x64xi32, #tpu.memory_space<vmem>> -> memref<64xi32, #tpu.memory_space<vmem>>
    %dma_wait3A_204 = arith.constant 0 : i32
    %dma_wait3A_205 = arith.constant 0 : i32
    %dma_wait3A_206 = tpu.memref_slice %arg5[%dma_wait3A_204, %dma_wait3A_205] : memref<1000x128xf32, #tpu.memory_space<vmem_shared>> -> memref<1000x128xf32, #tpu.memory_space<vmem_shared>>
    tpu.wait_indirect_dma semaphore(%arg12 : memref<!tpu.dma_semaphore, #tpu.memory_space<semaphore_mem>>) src(%dma_wait3A_206 : memref<1000x128xf32, #tpu.memory_space<vmem_shared>>) dst(%dma_wait3A_200 : memref<64x128xf32, #tpu.memory_space<vmem>>)
    %dma_start3A_207 = arith.constant 256 : i32
    %dma_start3A_208 = arith.constant 0 : i32
    %dma_start3A_209 = tpu.memref_slice %arg7[%dma_start3A_207, %dma_start3A_208] : memref<512x128xf32, #tpu.memory_space<vmem>> -> memref<64x128xf32, #tpu.memory_space<vmem>>
    %dma_start3A_210 = arith.constant 256 : i32
    %dma_start3A_211 = arith.constant 0 : i32
    %dma_start3A_212 = tpu.memref_slice %arg4[%add3A, %dma_start3A_210, %dma_start3A_211] : memref<32x512x128xf32, #tpu.memory_space<hbm>> -> memref<1x64x128xf32, #tpu.memory_space<hbm>>
    %dma_start3A_213 = tpu.memref_squeeze %dma_start3A_212 : memref<1x64x128xf32, #tpu.memory_space<hbm>> -> memref<64x128xf32, #tpu.memory_space<hbm>>
    %dma_start3A_214 = arith.constant 256 : i32
    %dma_start3A_215 = arith.constant 0 : i32
    %dma_start3A_216 = tpu.memref_slice %arg4[%add3A, %dma_start3A_214, %dma_start3A_215] : memref<32x512x128xf32, #tpu.memory_space<hbm>> -> memref<1x64x128xf32, #tpu.memory_space<hbm>>
    %dma_start3A_217 = tpu.memref_squeeze %dma_start3A_216 : memref<1x64x128xf32, #tpu.memory_space<hbm>> -> memref<64x128xf32, #tpu.memory_space<hbm>>
    %dma_start3A_218 = arith.constant 256 : i32
    %dma_start3A_219 = arith.constant 0 : i32
    %dma_start3A_220 = tpu.memref_slice %arg7[%dma_start3A_218, %dma_start3A_219] : memref<512x128xf32, #tpu.memory_space<vmem>> -> memref<64x128xf32, #tpu.memory_space<vmem>>
    tpu.enqueue_dma source(%dma_start3A_220 : memref<64x128xf32, #tpu.memory_space<vmem>>) target(%dma_start3A_217 : memref<64x128xf32, #tpu.memory_space<hbm>>) target_semaphore(%arg16 : memref<!tpu.dma_semaphore, #tpu.memory_space<semaphore_mem>>)
    %dma_wait3A_221 = arith.constant 5 : i32
    %dma_wait3A_222 = arith.constant 320 : i32
    %dma_wait3A_223 = arith.constant 0 : i32
    %dma_wait3A_224 = tpu.memref_slice %arg7[%dma_wait3A_222, %dma_wait3A_223] : memref<512x128xf32, #tpu.memory_space<vmem>> -> memref<64x128xf32, #tpu.memory_space<vmem>>
    %dma_wait3A_225 = arith.constant 0 : i32
    %dma_wait3A_226 = tpu.memref_slice %arg6[%dma_wait3A_221, %dma_wait3A_225] : memref<8x64xi32, #tpu.memory_space<vmem>> -> memref<1x64xi32, #tpu.memory_space<vmem>>
    %dma_wait3A_227 = tpu.memref_squeeze %dma_wait3A_226 : memref<1x64xi32, #tpu.memory_space<vmem>> -> memref<64xi32, #tpu.memory_space<vmem>>
    %dma_wait3A_228 = arith.constant 0 : i32
    %dma_wait3A_229 = arith.constant 0 : i32
    %dma_wait3A_230 = tpu.memref_slice %arg5[%dma_wait3A_228, %dma_wait3A_229] : memref<1000x128xf32, #tpu.memory_space<vmem_shared>> -> memref<1000x128xf32, #tpu.memory_space<vmem_shared>>
    tpu.wait_indirect_dma semaphore(%arg13 : memref<!tpu.dma_semaphore, #tpu.memory_space<semaphore_mem>>) src(%dma_wait3A_230 : memref<1000x128xf32, #tpu.memory_space<vmem_shared>>) dst(%dma_wait3A_224 : memref<64x128xf32, #tpu.memory_space<vmem>>)
    %dma_start3A_231 = arith.constant 320 : i32
    %dma_start3A_232 = arith.constant 0 : i32
    %dma_start3A_233 = tpu.memref_slice %arg7[%dma_start3A_231, %dma_start3A_232] : memref<512x128xf32, #tpu.memory_space<vmem>> -> memref<64x128xf32, #tpu.memory_space<vmem>>
    %dma_start3A_234 = arith.constant 320 : i32
    %dma_start3A_235 = arith.constant 0 : i32
    %dma_start3A_236 = tpu.memref_slice %arg4[%add3A, %dma_start3A_234, %dma_start3A_235] : memref<32x512x128xf32, #tpu.memory_space<hbm>> -> memref<1x64x128xf32, #tpu.memory_space<hbm>>
    %dma_start3A_237 = tpu.memref_squeeze %dma_start3A_236 : memref<1x64x128xf32, #tpu.memory_space<hbm>> -> memref<64x128xf32, #tpu.memory_space<hbm>>
    %dma_start3A_238 = arith.constant 320 : i32
    %dma_start3A_239 = arith.constant 0 : i32
    %dma_start3A_240 = tpu.memref_slice %arg4[%add3A, %dma_start3A_238, %dma_start3A_239] : memref<32x512x128xf32, #tpu.memory_space<hbm>> -> memref<1x64x128xf32, #tpu.memory_space<hbm>>
    %dma_start3A_241 = tpu.memref_squeeze %dma_start3A_240 : memref<1x64x128xf32, #tpu.memory_space<hbm>> -> memref<64x128xf32, #tpu.memory_space<hbm>>
    %dma_start3A_242 = arith.constant 320 : i32
    %dma_start3A_243 = arith.constant 0 : i32
    %dma_start3A_244 = tpu.memref_slice %arg7[%dma_start3A_242, %dma_start3A_243] : memref<512x128xf32, #tpu.memory_space<vmem>> -> memref<64x128xf32, #tpu.memory_space<vmem>>
    tpu.enqueue_dma source(%dma_start3A_244 : memref<64x128xf32, #tpu.memory_space<vmem>>) target(%dma_start3A_241 : memref<64x128xf32, #tpu.memory_space<hbm>>) target_semaphore(%arg16 : memref<!tpu.dma_semaphore, #tpu.memory_space<semaphore_mem>>)
    %dma_wait3A_245 = arith.constant 6 : i32
    %dma_wait3A_246 = arith.constant 384 : i32
    %dma_wait3A_247 = arith.constant 0 : i32
    %dma_wait3A_248 = tpu.memref_slice %arg7[%dma_wait3A_246, %dma_wait3A_247] : memref<512x128xf32, #tpu.memory_space<vmem>> -> memref<64x128xf32, #tpu.memory_space<vmem>>
    %dma_wait3A_249 = arith.constant 0 : i32
    %dma_wait3A_250 = tpu.memref_slice %arg6[%dma_wait3A_245, %dma_wait3A_249] : memref<8x64xi32, #tpu.memory_space<vmem>> -> memref<1x64xi32, #tpu.memory_space<vmem>>
    %dma_wait3A_251 = tpu.memref_squeeze %dma_wait3A_250 : memref<1x64xi32, #tpu.memory_space<vmem>> -> memref<64xi32, #tpu.memory_space<vmem>>
    %dma_wait3A_252 = arith.constant 0 : i32
    %dma_wait3A_253 = arith.constant 0 : i32
    %dma_wait3A_254 = tpu.memref_slice %arg5[%dma_wait3A_252, %dma_wait3A_253] : memref<1000x128xf32, #tpu.memory_space<vmem_shared>> -> memref<1000x128xf32, #tpu.memory_space<vmem_shared>>
    tpu.wait_indirect_dma semaphore(%arg14 : memref<!tpu.dma_semaphore, #tpu.memory_space<semaphore_mem>>) src(%dma_wait3A_254 : memref<1000x128xf32, #tpu.memory_space<vmem_shared>>) dst(%dma_wait3A_248 : memref<64x128xf32, #tpu.memory_space<vmem>>)
    %dma_start3A_255 = arith.constant 384 : i32
    %dma_start3A_256 = arith.constant 0 : i32
    %dma_start3A_257 = tpu.memref_slice %arg7[%dma_start3A_255, %dma_start3A_256] : memref<512x128xf32, #tpu.memory_space<vmem>> -> memref<64x128xf32, #tpu.memory_space<vmem>>
    %dma_start3A_258 = arith.constant 384 : i32
    %dma_start3A_259 = arith.constant 0 : i32
    %dma_start3A_260 = tpu.memref_slice %arg4[%add3A, %dma_start3A_258, %dma_start3A_259] : memref<32x512x128xf32, #tpu.memory_space<hbm>> -> memref<1x64x128xf32, #tpu.memory_space<hbm>>
    %dma_start3A_261 = tpu.memref_squeeze %dma_start3A_260 : memref<1x64x128xf32, #tpu.memory_space<hbm>> -> memref<64x128xf32, #tpu.memory_space<hbm>>
    %dma_start3A_262 = arith.constant 384 : i32
    %dma_start3A_263 = arith.constant 0 : i32
    %dma_start3A_264 = tpu.memref_slice %arg4[%add3A, %dma_start3A_262, %dma_start3A_263] : memref<32x512x128xf32, #tpu.memory_space<hbm>> -> memref<1x64x128xf32, #tpu.memory_space<hbm>>
    %dma_start3A_265 = tpu.memref_squeeze %dma_start3A_264 : memref<1x64x128xf32, #tpu.memory_space<hbm>> -> memref<64x128xf32, #tpu.memory_space<hbm>>
    %dma_start3A_266 = arith.constant 384 : i32
    %dma_start3A_267 = arith.constant 0 : i32
    %dma_start3A_268 = tpu.memref_slice %arg7[%dma_start3A_266, %dma_start3A_267] : memref<512x128xf32, #tpu.memory_space<vmem>> -> memref<64x128xf32, #tpu.memory_space<vmem>>
    tpu.enqueue_dma source(%dma_start3A_268 : memref<64x128xf32, #tpu.memory_space<vmem>>) target(%dma_start3A_265 : memref<64x128xf32, #tpu.memory_space<hbm>>) target_semaphore(%arg16 : memref<!tpu.dma_semaphore, #tpu.memory_space<semaphore_mem>>)
    %dma_wait3A_269 = arith.constant 7 : i32
    %dma_wait3A_270 = arith.constant 448 : i32
    %dma_wait3A_271 = arith.constant 0 : i32
    %dma_wait3A_272 = tpu.memref_slice %arg7[%dma_wait3A_270, %dma_wait3A_271] : memref<512x128xf32, #tpu.memory_space<vmem>> -> memref<64x128xf32, #tpu.memory_space<vmem>>
    %dma_wait3A_273 = arith.constant 0 : i32
    %dma_wait3A_274 = tpu.memref_slice %arg6[%dma_wait3A_269, %dma_wait3A_273] : memref<8x64xi32, #tpu.memory_space<vmem>> -> memref<1x64xi32, #tpu.memory_space<vmem>>
    %dma_wait3A_275 = tpu.memref_squeeze %dma_wait3A_274 : memref<1x64xi32, #tpu.memory_space<vmem>> -> memref<64xi32, #tpu.memory_space<vmem>>
    %dma_wait3A_276 = arith.constant 0 : i32
    %dma_wait3A_277 = arith.constant 0 : i32
    %dma_wait3A_278 = tpu.memref_slice %arg5[%dma_wait3A_276, %dma_wait3A_277] : memref<1000x128xf32, #tpu.memory_space<vmem_shared>> -> memref<1000x128xf32, #tpu.memory_space<vmem_shared>>
    tpu.wait_indirect_dma semaphore(%arg15 : memref<!tpu.dma_semaphore, #tpu.memory_space<semaphore_mem>>) src(%dma_wait3A_278 : memref<1000x128xf32, #tpu.memory_space<vmem_shared>>) dst(%dma_wait3A_272 : memref<64x128xf32, #tpu.memory_space<vmem>>)
    %dma_start3A_279 = arith.constant 448 : i32
    %dma_start3A_280 = arith.constant 0 : i32
    %dma_start3A_281 = tpu.memref_slice %arg7[%dma_start3A_279, %dma_start3A_280] : memref<512x128xf32, #tpu.memory_space<vmem>> -> memref<64x128xf32, #tpu.memory_space<vmem>>
    %dma_start3A_282 = arith.constant 448 : i32
    %dma_start3A_283 = arith.constant 0 : i32
    %dma_start3A_284 = tpu.memref_slice %arg4[%add3A, %dma_start3A_282, %dma_start3A_283] : memref<32x512x128xf32, #tpu.memory_space<hbm>> -> memref<1x64x128xf32, #tpu.memory_space<hbm>>
    %dma_start3A_285 = tpu.memref_squeeze %dma_start3A_284 : memref<1x64x128xf32, #tpu.memory_space<hbm>> -> memref<64x128xf32, #tpu.memory_space<hbm>>
    %dma_start3A_286 = arith.constant 448 : i32
    %dma_start3A_287 = arith.constant 0 : i32
    %dma_start3A_288 = tpu.memref_slice %arg4[%add3A, %dma_start3A_286, %dma_start3A_287] : memref<32x512x128xf32, #tpu.memory_space<hbm>> -> memref<1x64x128xf32, #tpu.memory_space<hbm>>
    %dma_start3A_289 = tpu.memref_squeeze %dma_start3A_288 : memref<1x64x128xf32, #tpu.memory_space<hbm>> -> memref<64x128xf32, #tpu.memory_space<hbm>>
    %dma_start3A_290 = arith.constant 448 : i32
    %dma_start3A_291 = arith.constant 0 : i32
    %dma_start3A_292 = tpu.memref_slice %arg7[%dma_start3A_290, %dma_start3A_291] : memref<512x128xf32, #tpu.memory_space<vmem>> -> memref<64x128xf32, #tpu.memory_space<vmem>>
    tpu.enqueue_dma source(%dma_start3A_292 : memref<64x128xf32, #tpu.memory_space<vmem>>) target(%dma_start3A_289 : memref<64x128xf32, #tpu.memory_space<hbm>>) target_semaphore(%arg16 : memref<!tpu.dma_semaphore, #tpu.memory_space<semaphore_mem>>)
    %dma_wait3A_293 = arith.constant 0 : i32
    %dma_wait3A_294 = arith.constant 0 : i32
    %dma_wait3A_295 = tpu.memref_slice %arg7[%dma_wait3A_293, %dma_wait3A_294] : memref<512x128xf32, #tpu.memory_space<vmem>> -> memref<64x128xf32, #tpu.memory_space<vmem>>
    %dma_wait3A_296 = arith.constant 0 : i32
    %dma_wait3A_297 = arith.constant 0 : i32
    %dma_wait3A_298 = tpu.memref_slice %arg4[%add3A, %dma_wait3A_296, %dma_wait3A_297] : memref<32x512x128xf32, #tpu.memory_space<hbm>> -> memref<1x64x128xf32, #tpu.memory_space<hbm>>
    %dma_wait3A_299 = tpu.memref_squeeze %dma_wait3A_298 : memref<1x64x128xf32, #tpu.memory_space<hbm>> -> memref<64x128xf32, #tpu.memory_space<hbm>>
    %dma_wait3A_300 = arith.constant 0 : i32
    %dma_wait3A_301 = arith.constant 0 : i32
    %dma_wait3A_302 = tpu.memref_slice %arg4[%add3A, %dma_wait3A_300, %dma_wait3A_301] : memref<32x512x128xf32, #tpu.memory_space<hbm>> -> memref<1x64x128xf32, #tpu.memory_space<hbm>>
    %dma_wait3A_303 = tpu.memref_squeeze %dma_wait3A_302 : memref<1x64x128xf32, #tpu.memory_space<hbm>> -> memref<64x128xf32, #tpu.memory_space<hbm>>
    %dma_wait3A_304 = arith.constant 0 : i32
    %dma_wait3A_305 = arith.constant 0 : i32
    %dma_wait3A_306 = tpu.memref_slice %arg7[%dma_wait3A_304, %dma_wait3A_305] : memref<512x128xf32, #tpu.memory_space<vmem>> -> memref<64x128xf32, #tpu.memory_space<vmem>>
    tpu.wait_dma2 semaphore(%arg16 : memref<!tpu.dma_semaphore, #tpu.memory_space<semaphore_mem>>) src(%dma_wait3A_306 : memref<64x128xf32, #tpu.memory_space<vmem>>) dst(%dma_wait3A_303 : memref<64x128xf32, #tpu.memory_space<hbm>>)
    %dma_wait3A_307 = arith.constant 64 : i32
    %dma_wait3A_308 = arith.constant 0 : i32
    %dma_wait3A_309 = tpu.memref_slice %arg7[%dma_wait3A_307, %dma_wait3A_308] : memref<512x128xf32, #tpu.memory_space<vmem>> -> memref<64x128xf32, #tpu.memory_space<vmem>>
    %dma_wait3A_310 = arith.constant 64 : i32
    %dma_wait3A_311 = arith.constant 0 : i32
    %dma_wait3A_312 = tpu.memref_slice %arg4[%add3A, %dma_wait3A_310, %dma_wait3A_311] : memref<32x512x128xf32, #tpu.memory_space<hbm>> -> memref<1x64x128xf32, #tpu.memory_space<hbm>>
    %dma_wait3A_313 = tpu.memref_squeeze %dma_wait3A_312 : memref<1x64x128xf32, #tpu.memory_space<hbm>> -> memref<64x128xf32, #tpu.memory_space<hbm>>
    %dma_wait3A_314 = arith.constant 64 : i32
    %dma_wait3A_315 = arith.constant 0 : i32
    %dma_wait3A_316 = tpu.memref_slice %arg4[%add3A, %dma_wait3A_314, %dma_wait3A_315] : memref<32x512x128xf32, #tpu.memory_space<hbm>> -> memref<1x64x128xf32, #tpu.memory_space<hbm>>
    %dma_wait3A_317 = tpu.memref_squeeze %dma_wait3A_316 : memref<1x64x128xf32, #tpu.memory_space<hbm>> -> memref<64x128xf32, #tpu.memory_space<hbm>>
    %dma_wait3A_318 = arith.constant 64 : i32
    %dma_wait3A_319 = arith.constant 0 : i32
    %dma_wait3A_320 = tpu.memref_slice %arg7[%dma_wait3A_318, %dma_wait3A_319] : memref<512x128xf32, #tpu.memory_space<vmem>> -> memref<64x128xf32, #tpu.memory_space<vmem>>
    tpu.wait_dma2 semaphore(%arg16 : memref<!tpu.dma_semaphore, #tpu.memory_space<semaphore_mem>>) src(%dma_wait3A_320 : memref<64x128xf32, #tpu.memory_space<vmem>>) dst(%dma_wait3A_317 : memref<64x128xf32, #tpu.memory_space<hbm>>)
    %dma_wait3A_321 = arith.constant 128 : i32
    %dma_wait3A_322 = arith.constant 0 : i32
    %dma_wait3A_323 = tpu.memref_slice %arg7[%dma_wait3A_321, %dma_wait3A_322] : memref<512x128xf32, #tpu.memory_space<vmem>> -> memref<64x128xf32, #tpu.memory_space<vmem>>
    %dma_wait3A_324 = arith.constant 128 : i32
    %dma_wait3A_325 = arith.constant 0 : i32
    %dma_wait3A_326 = tpu.memref_slice %arg4[%add3A, %dma_wait3A_324, %dma_wait3A_325] : memref<32x512x128xf32, #tpu.memory_space<hbm>> -> memref<1x64x128xf32, #tpu.memory_space<hbm>>
    %dma_wait3A_327 = tpu.memref_squeeze %dma_wait3A_326 : memref<1x64x128xf32, #tpu.memory_space<hbm>> -> memref<64x128xf32, #tpu.memory_space<hbm>>
    %dma_wait3A_328 = arith.constant 128 : i32
    %dma_wait3A_329 = arith.constant 0 : i32
    %dma_wait3A_330 = tpu.memref_slice %arg4[%add3A, %dma_wait3A_328, %dma_wait3A_329] : memref<32x512x128xf32, #tpu.memory_space<hbm>> -> memref<1x64x128xf32, #tpu.memory_space<hbm>>
    %dma_wait3A_331 = tpu.memref_squeeze %dma_wait3A_330 : memref<1x64x128xf32, #tpu.memory_space<hbm>> -> memref<64x128xf32, #tpu.memory_space<hbm>>
    %dma_wait3A_332 = arith.constant 128 : i32
    %dma_wait3A_333 = arith.constant 0 : i32
    %dma_wait3A_334 = tpu.memref_slice %arg7[%dma_wait3A_332, %dma_wait3A_333] : memref<512x128xf32, #tpu.memory_space<vmem>> -> memref<64x128xf32, #tpu.memory_space<vmem>>
    tpu.wait_dma2 semaphore(%arg16 : memref<!tpu.dma_semaphore, #tpu.memory_space<semaphore_mem>>) src(%dma_wait3A_334 : memref<64x128xf32, #tpu.memory_space<vmem>>) dst(%dma_wait3A_331 : memref<64x128xf32, #tpu.memory_space<hbm>>)
    %dma_wait3A_335 = arith.constant 192 : i32
    %dma_wait3A_336 = arith.constant 0 : i32
    %dma_wait3A_337 = tpu.memref_slice %arg7[%dma_wait3A_335, %dma_wait3A_336] : memref<512x128xf32, #tpu.memory_space<vmem>> -> memref<64x128xf32, #tpu.memory_space<vmem>>
    %dma_wait3A_338 = arith.constant 192 : i32
    %dma_wait3A_339 = arith.constant 0 : i32
    %dma_wait3A_340 = tpu.memref_slice %arg4[%add3A, %dma_wait3A_338, %dma_wait3A_339] : memref<32x512x128xf32, #tpu.memory_space<hbm>> -> memref<1x64x128xf32, #tpu.memory_space<hbm>>
    %dma_wait3A_341 = tpu.memref_squeeze %dma_wait3A_340 : memref<1x64x128xf32, #tpu.memory_space<hbm>> -> memref<64x128xf32, #tpu.memory_space<hbm>>
    %dma_wait3A_342 = arith.constant 192 : i32
    %dma_wait3A_343 = arith.constant 0 : i32
    %dma_wait3A_344 = tpu.memref_slice %arg4[%add3A, %dma_wait3A_342, %dma_wait3A_343] : memref<32x512x128xf32, #tpu.memory_space<hbm>> -> memref<1x64x128xf32, #tpu.memory_space<hbm>>
    %dma_wait3A_345 = tpu.memref_squeeze %dma_wait3A_344 : memref<1x64x128xf32, #tpu.memory_space<hbm>> -> memref<64x128xf32, #tpu.memory_space<hbm>>
    %dma_wait3A_346 = arith.constant 192 : i32
    %dma_wait3A_347 = arith.constant 0 : i32
    %dma_wait3A_348 = tpu.memref_slice %arg7[%dma_wait3A_346, %dma_wait3A_347] : memref<512x128xf32, #tpu.memory_space<vmem>> -> memref<64x128xf32, #tpu.memory_space<vmem>>
    tpu.wait_dma2 semaphore(%arg16 : memref<!tpu.dma_semaphore, #tpu.memory_space<semaphore_mem>>) src(%dma_wait3A_348 : memref<64x128xf32, #tpu.memory_space<vmem>>) dst(%dma_wait3A_345 : memref<64x128xf32, #tpu.memory_space<hbm>>)
    %dma_wait3A_349 = arith.constant 256 : i32
    %dma_wait3A_350 = arith.constant 0 : i32
    %dma_wait3A_351 = tpu.memref_slice %arg7[%dma_wait3A_349, %dma_wait3A_350] : memref<512x128xf32, #tpu.memory_space<vmem>> -> memref<64x128xf32, #tpu.memory_space<vmem>>
    %dma_wait3A_352 = arith.constant 256 : i32
    %dma_wait3A_353 = arith.constant 0 : i32
    %dma_wait3A_354 = tpu.memref_slice %arg4[%add3A, %dma_wait3A_352, %dma_wait3A_353] : memref<32x512x128xf32, #tpu.memory_space<hbm>> -> memref<1x64x128xf32, #tpu.memory_space<hbm>>
    %dma_wait3A_355 = tpu.memref_squeeze %dma_wait3A_354 : memref<1x64x128xf32, #tpu.memory_space<hbm>> -> memref<64x128xf32, #tpu.memory_space<hbm>>
    %dma_wait3A_356 = arith.constant 256 : i32
    %dma_wait3A_357 = arith.constant 0 : i32
    %dma_wait3A_358 = tpu.memref_slice %arg4[%add3A, %dma_wait3A_356, %dma_wait3A_357] : memref<32x512x128xf32, #tpu.memory_space<hbm>> -> memref<1x64x128xf32, #tpu.memory_space<hbm>>
    %dma_wait3A_359 = tpu.memref_squeeze %dma_wait3A_358 : memref<1x64x128xf32, #tpu.memory_space<hbm>> -> memref<64x128xf32, #tpu.memory_space<hbm>>
    %dma_wait3A_360 = arith.constant 256 : i32
    %dma_wait3A_361 = arith.constant 0 : i32
    %dma_wait3A_362 = tpu.memref_slice %arg7[%dma_wait3A_360, %dma_wait3A_361] : memref<512x128xf32, #tpu.memory_space<vmem>> -> memref<64x128xf32, #tpu.memory_space<vmem>>
    tpu.wait_dma2 semaphore(%arg16 : memref<!tpu.dma_semaphore, #tpu.memory_space<semaphore_mem>>) src(%dma_wait3A_362 : memref<64x128xf32, #tpu.memory_space<vmem>>) dst(%dma_wait3A_359 : memref<64x128xf32, #tpu.memory_space<hbm>>)
    %dma_wait3A_363 = arith.constant 320 : i32
    %dma_wait3A_364 = arith.constant 0 : i32
    %dma_wait3A_365 = tpu.memref_slice %arg7[%dma_wait3A_363, %dma_wait3A_364] : memref<512x128xf32, #tpu.memory_space<vmem>> -> memref<64x128xf32, #tpu.memory_space<vmem>>
    %dma_wait3A_366 = arith.constant 320 : i32
    %dma_wait3A_367 = arith.constant 0 : i32
    %dma_wait3A_368 = tpu.memref_slice %arg4[%add3A, %dma_wait3A_366, %dma_wait3A_367] : memref<32x512x128xf32, #tpu.memory_space<hbm>> -> memref<1x64x128xf32, #tpu.memory_space<hbm>>
    %dma_wait3A_369 = tpu.memref_squeeze %dma_wait3A_368 : memref<1x64x128xf32, #tpu.memory_space<hbm>> -> memref<64x128xf32, #tpu.memory_space<hbm>>
    %dma_wait3A_370 = arith.constant 320 : i32
    %dma_wait3A_371 = arith.constant 0 : i32
    %dma_wait3A_372 = tpu.memref_slice %arg4[%add3A, %dma_wait3A_370, %dma_wait3A_371] : memref<32x512x128xf32, #tpu.memory_space<hbm>> -> memref<1x64x128xf32, #tpu.memory_space<hbm>>
    %dma_wait3A_373 = tpu.memref_squeeze %dma_wait3A_372 : memref<1x64x128xf32, #tpu.memory_space<hbm>> -> memref<64x128xf32, #tpu.memory_space<hbm>>
    %dma_wait3A_374 = arith.constant 320 : i32
    %dma_wait3A_375 = arith.constant 0 : i32
    %dma_wait3A_376 = tpu.memref_slice %arg7[%dma_wait3A_374, %dma_wait3A_375] : memref<512x128xf32, #tpu.memory_space<vmem>> -> memref<64x128xf32, #tpu.memory_space<vmem>>
    tpu.wait_dma2 semaphore(%arg16 : memref<!tpu.dma_semaphore, #tpu.memory_space<semaphore_mem>>) src(%dma_wait3A_376 : memref<64x128xf32, #tpu.memory_space<vmem>>) dst(%dma_wait3A_373 : memref<64x128xf32, #tpu.memory_space<hbm>>)
    %dma_wait3A_377 = arith.constant 384 : i32
    %dma_wait3A_378 = arith.constant 0 : i32
    %dma_wait3A_379 = tpu.memref_slice %arg7[%dma_wait3A_377, %dma_wait3A_378] : memref<512x128xf32, #tpu.memory_space<vmem>> -> memref<64x128xf32, #tpu.memory_space<vmem>>
    %dma_wait3A_380 = arith.constant 384 : i32
    %dma_wait3A_381 = arith.constant 0 : i32
    %dma_wait3A_382 = tpu.memref_slice %arg4[%add3A, %dma_wait3A_380, %dma_wait3A_381] : memref<32x512x128xf32, #tpu.memory_space<hbm>> -> memref<1x64x128xf32, #tpu.memory_space<hbm>>
    %dma_wait3A_383 = tpu.memref_squeeze %dma_wait3A_382 : memref<1x64x128xf32, #tpu.memory_space<hbm>> -> memref<64x128xf32, #tpu.memory_space<hbm>>
    %dma_wait3A_384 = arith.constant 384 : i32
    %dma_wait3A_385 = arith.constant 0 : i32
    %dma_wait3A_386 = tpu.memref_slice %arg4[%add3A, %dma_wait3A_384, %dma_wait3A_385] : memref<32x512x128xf32, #tpu.memory_space<hbm>> -> memref<1x64x128xf32, #tpu.memory_space<hbm>>
    %dma_wait3A_387 = tpu.memref_squeeze %dma_wait3A_386 : memref<1x64x128xf32, #tpu.memory_space<hbm>> -> memref<64x128xf32, #tpu.memory_space<hbm>>
    %dma_wait3A_388 = arith.constant 384 : i32
    %dma_wait3A_389 = arith.constant 0 : i32
    %dma_wait3A_390 = tpu.memref_slice %arg7[%dma_wait3A_388, %dma_wait3A_389] : memref<512x128xf32, #tpu.memory_space<vmem>> -> memref<64x128xf32, #tpu.memory_space<vmem>>
    tpu.wait_dma2 semaphore(%arg16 : memref<!tpu.dma_semaphore, #tpu.memory_space<semaphore_mem>>) src(%dma_wait3A_390 : memref<64x128xf32, #tpu.memory_space<vmem>>) dst(%dma_wait3A_387 : memref<64x128xf32, #tpu.memory_space<hbm>>)
    %dma_wait3A_391 = arith.constant 448 : i32
    %dma_wait3A_392 = arith.constant 0 : i32
    %dma_wait3A_393 = tpu.memref_slice %arg7[%dma_wait3A_391, %dma_wait3A_392] : memref<512x128xf32, #tpu.memory_space<vmem>> -> memref<64x128xf32, #tpu.memory_space<vmem>>
    %dma_wait3A_394 = arith.constant 448 : i32
    %dma_wait3A_395 = arith.constant 0 : i32
    %dma_wait3A_396 = tpu.memref_slice %arg4[%add3A, %dma_wait3A_394, %dma_wait3A_395] : memref<32x512x128xf32, #tpu.memory_space<hbm>> -> memref<1x64x128xf32, #tpu.memory_space<hbm>>
    %dma_wait3A_397 = tpu.memref_squeeze %dma_wait3A_396 : memref<1x64x128xf32, #tpu.memory_space<hbm>> -> memref<64x128xf32, #tpu.memory_space<hbm>>
    %dma_wait3A_398 = arith.constant 448 : i32
    %dma_wait3A_399 = arith.constant 0 : i32
    %dma_wait3A_400 = tpu.memref_slice %arg4[%add3A, %dma_wait3A_398, %dma_wait3A_399] : memref<32x512x128xf32, #tpu.memory_space<hbm>> -> memref<1x64x128xf32, #tpu.memory_space<hbm>>
    %dma_wait3A_401 = tpu.memref_squeeze %dma_wait3A_400 : memref<1x64x128xf32, #tpu.memory_space<hbm>> -> memref<64x128xf32, #tpu.memory_space<hbm>>
    %dma_wait3A_402 = arith.constant 448 : i32
    %dma_wait3A_403 = arith.constant 0 : i32
    %dma_wait3A_404 = tpu.memref_slice %arg7[%dma_wait3A_402, %dma_wait3A_403] : memref<512x128xf32, #tpu.memory_space<vmem>> -> memref<64x128xf32, #tpu.memory_space<vmem>>
    tpu.wait_dma2 semaphore(%arg16 : memref<!tpu.dma_semaphore, #tpu.memory_space<semaphore_mem>>) src(%dma_wait3A_404 : memref<64x128xf32, #tpu.memory_space<vmem>>) dst(%dma_wait3A_401 : memref<64x128xf32, #tpu.memory_space<hbm>>)
    return
  }
}

</mosaic_0001>

<sc_bundles>
// kernel: kernel.3.cloned.1.call-start
scs
__scs_entry_jumppad:
0x0: {  	(pc) =	sbr.rel $0x88, $3  }
0x1: {  	(tag) =	ssettag $0x0;
	lr =	simm.s32 $0x1  }
0x2: {  	[smem:$0x3F9F] =	sst lr;
	_ =	strace $0xD0000000  }
0x3: {  	_ = 	snop  }
0x4: {  	_ = 	snop  }
0x5: {  	_ = 	snop  }
0x6: {  	_ = 	snop  }
0x7: {  	_ = 	snop  }
__scs_overlays_trampoline_lowered:
0x8: {  	[smem:$0x3FAE] =	sst s0  }
0x9: {  	[smem:$0x3FAF] =	sst s1  }
0xa: {  	[smem:$0x3FB0] =	sst s2  }
0xb: {  	[smem:$0x3FB1] =	sst s3  }
0xc: {  	[smem:$0x3FB2] =	sst s4  }
0xd: {  	[smem:$0x3FB3] =	sst s5  }
0xe: {  	[smem:$0x3FB4] =	sst s6  }
0xf: {  	[smem:$0x3FB5] =	sst s7  }
0x10: {  	[smem:$0x3FB6] =	sst s8  }
0x11: {  	[smem:$0x3FB7] =	sst s9;
	s0 =	simm.s32 @!p0 $0x0  }
0x12: {  	s1 =	sld [smem:$0x3F9D];
	s0 =	simm.s32 @p0 $0x1  }
0x13: {  	[smem:$0x3FB8] =	sst s0;
	s0 =	simm.s32 @!p1 $0x0  }
0x14: {  	s2 =	sld [smem:$0x3F9C];
	s0 =	simm.s32 @p1 $0x1  }
0x15: {  	[smem:$0x3FB9] =	sst s0;
	s0 =	simm.s32 @!p2 $0x0  }
0x16: {  	s3 =	sld [smem:$0x3FDB];
	s0 =	simm.s32 @p2 $0x1  }
0x17: {  	s4 =	simm.s32 $0x1BF5;
	[smem:$0x3FBB] =	sst s0  }
0x18: {  	s0 =	sld [smem:$0x3F9E];
	_ =	swait.ge [sflag:s4], $0x0  }
0x19: {  	s7 =	sld [smem:$0x3F9F]  }
0x1a: {  	s8 =	sadd.s32 $0xFFFFE003, lr  }
0x1b: {  	s9 =	sadd.s32 $0xFFFFFEF7, lr;
	s5 =	simm.s32 $0xFFFFFFFF;
	p2 =	slt.u32 s8, $0xFFFFF086  }
0x1c: {  	p1 =	slt.u32 s9, $0xF7A;
	s5 =	simm.s32 @!p2 $0x0  }
0x1d: {  	s5 =	simm.s32 @p1 $0x1;
	p0 =	seq.s32 s7, s2  }
0x1e: {  	s7 =	smul.u32 @!p0 $0xF7A, s2;
	p2 =	seq.s32 @!p0 s5, $0x0  }
0x1f: {  	s9 =	smul.u32 $0xF7A, s1;
	s8 =	simm.s32 @!p0 $0x1BF5;
	p2 =	por !p2, p0  }
0x20: {  	[sflag:s8] =	ssyncset.s32 @!p0 $0xFFFFF086;
	s6 =	sadd.s32 @!p0 s3, s7;
	s7 =	simm.s32 @!p0 $0x108  }
0x21: {  	s3 =	sadd.s32 s3, s9;
	s6 =	sadd.s32 @!p0 $0x88, s6;
	s7 =	simm.s32 @p2 $0x1082  }
0x22: {  	[simem:s7], [sflag:s8] =	dma.local @!p0 [hbm:s6], $0xF7A  }
0x23: {  	s9 =	sor.u32 $0xD0000000, s2;
	s6 =	simm.s32 $0x108;
	_ =	swait.ge @!p0 [sflag:s8], $0x0  }
0x24: {  	s3 =	sadd.s32 $0x88, s3;
	s6 =	simm.s32 @!p1 $0x1082;
	[sflag:s4] =	ssyncset.s32 $0xFFFFF086  }
0x25: {  	[simem:s6], [sflag:s4] =	dma.local [hbm:s3], $0xF7A  }
0x26: {  	[smem:$0x3F9F] =	sst s1;
	(tag) =	ssettag s2;
	_ =	strace s9  }
0x27: {  	s1 =	sld [smem:$0x3FAF]  }
0x28: {  	s2 =	sld [smem:$0x3FB0]  }
0x29: {  	s4 =	sld [smem:$0x3FB2]  }
0x2a: {  	p0 =	seq.s32 s5, $0x0;
	s5 =	sld [smem:$0x3FB3]  }
0x2b: {  	s6 =	sld [smem:$0x3FB4]  }
0x2c: {  	s7 =	sld [smem:$0x3FB5]  }
0x2d: {  	s3 =	simm.s32 $0x108;
	s8 =	sld [smem:$0x3FB6]  }
0x2e: {  	s3 =	simm.s32 @!p0 $0x1082;
	s9 =	sld [smem:$0x3FB7]  }
0x2f: {  	lr =	sadd.s32 s0, s3;
	s0 =	sld [smem:$0x3FAE]  }
0x30: {  	s3 =	sld [smem:$0x3FB1]  }
0x31: {  	[smem:$0x3FBA] =	sst s10  }
0x32: {  	s10 =	sld [smem:$0x3FB8];
	_ =	sdelay $0x3  }
0x33: {  	p0 =	seq.s32 s10, $0x1;
	s10 =	sld [smem:$0x3FBA];
	_ =	sdelay $0x3  }
0x34: {  	[smem:$0x3FBA] =	sst s10  }
0x35: {  	s10 =	sld [smem:$0x3FB9];
	_ =	sdelay $0x3  }
0x36: {  	p1 =	seq.s32 s10, $0x1;
	s10 =	sld [smem:$0x3FBA];
	_ =	sdelay $0x3  }
0x37: {  	[smem:$0x3FBA] =	sst s10  }
0x38: {  	s10 =	sld [smem:$0x3FBB]  }
0x39: {  	_ = 	snop;
	(pc) =	sbr.ind lr, $3  }
0x3a: {  	_ = 	snop  }
0x3b: {  	_ = 	snop  }
0x3c: {  	p2 =	seq.s32 s10, $0x1;
	s10 =	sld [smem:$0x3FBA]  }
0x3d: {  	_ =	shalt  }
0x3e: {  	_ =	shalt  }
0x3f: {  	_ =	shalt  }
0x40: {  	_ =	shalt  }
0x41: {  	_ =	shalt  }
0x42: {  	_ =	shalt  }
0x43: {  	_ =	shalt  }
0x44: {  	_ =	shalt  }
0x45: {  	_ =	shalt  }
0x46: {  	_ =	shalt  }
0x47: {  	_ =	shalt  }
0x48: {  	_ =	shalt  }
0x49: {  	_ =	shalt  }
0x4a: {  	_ =	shalt  }
0x4b: {  	_ =	shalt  }
0x4c: {  	_ =	shalt  }
0x4d: {  	_ =	shalt  }
0x4e: {  	_ =	shalt  }
0x4f: {  	_ =	shalt  }
0x50: {  	_ =	shalt  }
0x51: {  	_ =	shalt  }
0x52: {  	_ =	shalt  }
0x53: {  	_ =	shalt  }
0x54: {  	_ =	shalt  }
0x55: {  	_ =	shalt  }
0x56: {  	_ =	shalt  }
0x57: {  	_ =	shalt  }
0x58: {  	_ =	shalt  }
0x59: {  	_ =	shalt  }
0x5a: {  	_ =	shalt  }
0x5b: {  	_ =	shalt  }
0x5c: {  	_ =	shalt  }
0x5d: {  	_ =	shalt  }
0x5e: {  	_ =	shalt  }
0x5f: {  	_ =	shalt  }
0x60: {  	_ =	shalt  }
0x61: {  	_ =	shalt  }
0x62: {  	_ =	shalt  }
0x63: {  	_ =	shalt  }
0x64: {  	_ =	shalt  }
0x65: {  	_ =	shalt  }
0x66: {  	_ =	shalt  }
0x67: {  	_ =	shalt  }
0x68: {  	_ =	shalt  }
0x69: {  	_ =	shalt  }
0x6a: {  	_ =	shalt  }
0x6b: {  	_ =	shalt  }
0x6c: {  	_ =	shalt  }
0x6d: {  	_ =	shalt  }
0x6e: {  	_ =	shalt  }
0x6f: {  	_ =	shalt  }
0x70: {  	_ =	shalt  }
0x71: {  	_ =	shalt  }
0x72: {  	_ =	shalt  }
0x73: {  	_ =	shalt  }
0x74: {  	_ =	shalt  }
0x75: {  	_ =	shalt  }
0x76: {  	_ =	shalt  }
0x77: {  	_ =	shalt  }
0x78: {  	_ =	shalt  }
0x79: {  	_ =	shalt  }
0x7a: {  	_ =	shalt  }
0x7b: {  	_ =	shalt  }
0x7c: {  	_ =	shalt  }
0x7d: {  	_ =	shalt  }
0x7e: {  	_ =	shalt  }
0x7f: {  	_ =	shalt  }
0x80: {  	_ =	shalt  }
0x81: {  	_ =	shalt  }
0x82: {  	_ =	shalt  }
0x83: {  	_ =	shalt  }
0x84: {  	_ =	shalt  }
0x85: {  	_ =	shalt  }
0x86: {  	_ =	shalt  }
0x87: {  	_ =	shalt  }
.Lfunc_end0:
.L_simem_size_0:
called_computation_lowered:
.L_overlay_start_0:
0x88: {  	s2 =	sld [smem:$0x3FD9]  }
0x89: {  	s3 =	sld [smem:$0x3FFE];
	_ =	sdelay $0x1  }
0x8a: {  	s1 =	srdreg.scid  }
0x8b: {  	s0 =	sand.u32 $0x1, s1  }
0x8c: {  	s17 =	sshll.u32 s0, $0xA;
	s2 =	sadd.s32 s3, s2  }
0x8d: {  	s2 =	sadd.s32 s2, s17  }
0x8e: {  	[smem:$0x3FC6] =	sst s2  }
0x8f: {  	_ = 	snop  }
0x90: {  	s2 =	sld [smem:$0x3FC9]  }
0x91: {  	s18 =	sld [smem:$0x3FD0];
	(tm) =	ssettm $0x1  }
0x92: {  	s4 =	sld [smem:$0x3FFB];
	_ =	sdelay $0x3  }
0x93: {  	_ =	strace s4  }
0x94: {  	s4 =	sld [smem:$0x3FFC];
	_ =	sdelay $0x3  }
0x95: {  	_ =	strace s4  }
0x96: {  	s4 =	sld [smem:$0x3FFD];
	_ =	sdelay $0x3  }
0x97: {  	_ =	strace s4  }
0x98: {  	_ =	strace $0x8FFFFFFF  }
0x99: {  	s19 =	sld [smem:$0x3FDB];
	_ =	sdelay $0x1  }
0x9a: {  	s5 =	simm.s32 $_scs_section_size  }
0x9b: {  	s6 =	simm.s32 $_size__tile_overlayer_lowered;
	s7 =	simm.s32 $_tile_overlayer_lowered  }
0x9c: {  	s22 =	simm.s32 $0x1BFF;
	s21 =	sshll.u32 s7, $0x1;
	s4 =	sadd.s32 s5, s19  }
0x9d: {  	s8 =	simm.s32 $0x0;
	s20 =	sshll.u32 s6, $0x1;
	s6 =	sadd.s32 s21, s4  }
0x9e: {  	[timem:s8], [sflag:s22] =	dma.local [hbm:s6], s20  }
0x9f: {  	_ =	swait.ge [sflag:s22], s20  }
0xa0: {  	s5 =	ssub.s32 $0x0, s20;
	[sflag:s22] =	ssyncset.done $0x0  }
0xa1: {  	[sflag:s22] =	ssyncadd.s32 s5;
	_ =	sdelay $0x1  }
0xa2: {  	s23 =	simm.s32 $0x1B8B  }
0xa3: {  	_ =	swait.ge [sflag:s23], $0x1  }
0xa4: {  	[sflag:s23] =	ssyncset.done $0x0  }
0xa5: {  	s25 =	simm.s32 $0x1B8E;
	s24 =	sld [smem:$0x3FFE];
	[sflag:s23] =	ssyncadd.s32 $0xFFFFFFFF  }
0xa6: {  	s26 =	simm.s32 $execute0_lowered;
	[smem:$0x3FD2] =	sst s25  }
0xa7: {  	s6 =	sshll.u32 s26, $0x1;
	_ =	strace $0x80000046;
	[dreg:$0x1] =	wrdreg $0xFFFFFFFF  }
0xa8: {  	s28 =	simm.s32 $_size_execute0_lowered;
	s4 =	sadd.s32 s4, s6;
	[dreg:$0x0] =	wrdreg $0x0  }
0xa9: {  	s6 =	sshll.u32 s28, $0x1;
	[dreg:$0x2] =	wrdreg s4  }
0xaa: {  	[dreg:$0x3] =	wrdreg s6  }
0xab: {  	[dreg:$0x4] =	wrdreg $0xC0  }
0xac: {  	_ =	task [dreg:s8], $0x5FFFF  }
0xad: {  	[dreg:$0x1] =	wrdreg $0xFFFFFFFF  }
0xae: {  	[dreg:$0x0] =	wrdreg $0x60  }
0xaf: {  	[dreg:$0x2] =	wrdreg s2  }
0xb0: {  	[dreg:$0x3] =	wrdreg s24  }
0xb1: {  	[dreg:$0x4] =	wrdreg s18  }
0xb2: {  	[dreg:$0x5] =	wrdreg $0x0  }
0xb3: {  	[dreg:$0x6] =	wrdreg $0x9  }
0xb4: {  	_ =	task.clear_ibuf [dreg:s8], $0x7FFFF;
	_ =	strace $0x90000046  }
0xb5: {  	s29 =	simm.s32 $0x9;
	_ =	strace $0x80000048  }
0xb6: {  	_ =	swait.ge [sflag:s29], $0x1  }
0xb7: {  	[sflag:s29] =	ssyncadd.s32 $0xFFFFFFFF  }
0xb8: {  	_ =	strace $0x90000048  }
0xb9: {  	_ =	sfence  }
0xba: {  	s30 =	sld [smem:$0x0];
	_ =	sdelay $0x2  }
0xbb: {  	s31 =	sshll.u32 s1, $0xD;
	s1 =	sshrl.u32 s1, $0x2  }
0xbc: {  	s3 =	sand.u32 $0x4000, s31;
	s1 =	sadd.s32 s1, s30  }
0xbd: {  	s0 =	sor.u32 s3, s0;
	s1 =	sshll.u32 s1, $0x11  }
0xbe: {  	s0 =	sor.u32 s1, s0  }
0xbf: {  	s0 =	sadd.s32 $0x8F2B, s0  }
0xc0: {  	[sflag:s0] =	ssyncadd.remote.s32 $0x1  }
0xc1: {  	_ =	sfence.sel $0xFFFF  }
0xc2: {  	[dreg:$0x0] =	wrdreg $0xFFFFFFFF;
	(pc) =	sbr.abs _section_cstart, $3  }
0xc3: {  	[dreg:$0x1] =	wrdreg $0xFFFFFFFF  }
0xc4: {  	_ =	task.clear_ibuf [dreg:s8], $0x2FFFF;
	_ =	strace $0x9FFFFFFF  }
0xc5: {  	(tm) =	ssettm $0x7FFFFFFF  }
tec
execute0_lowered:
.L_overlay_start_1:
0x0: {  	(tag) =	ssettag $0x1  }
0x1: {  	s4 =	rddreg [dreg:$0x0]  }
0x2: {  	s5 =	rddreg [dreg:$0x1]  }
0x3: {  	s6 =	rddreg [dreg:$0x2];
	s1 =	srdreg.scid  }
0x4: {  	s0 =	stileid.u32;
	s2 =	rddreg [dreg:$0x3];
	s3 =	simm.s32 $0x0  }
0x5: {  	s23 =	simm.s32 $0x1FC0;
	[smem:$0x7FF] =	sst s3;
	s14 =	sadd.s32 $0x3C00, s4  }
0x6: {  	s24 =	simm.s32 $0x2040;
	_ =	strace $0x80000047;
	[dreg:$0x7] =	wrdreg s14  }
0x7: {  	s25 =	simm.s32 $0x20C0;
	s1 =	sand.u32 $0x1, s1;
	[dreg:$0x12] =	wrdreg s23  }
0x8: {  	s7 =	sshll.u32 s0, $0x1;
	s12 =	sshll.u32 s0, $0xA;
	[dreg:$0x13] =	wrdreg s24  }
0x9: {  	s7 =	sor.u32 s1, s7;
	s13 =	sadd.s32 s4, s12;
	[dreg:$0x14] =	wrdreg s25  }
0xa: {  	s8 =	sshll.u32 s7, $0x7;
	s7 =	sshll.u32 s7, $0xD;
	[dreg:$0x6] =	wrdreg s13  }
0xb: {  	s5 =	sadd.s32 s5, s8;
	s4 =	sadd.s32 s6, s7;
	s8 =	rddreg [dreg:$0x7]  }
0xc: {  	[dreg:$0x5] =	wrdreg s5;
	s15 =	sadd.s32 $0x400, s4  }
0xd: {  	s16 =	sadd.s32 $0x800, s4;
	[dreg:$0x8] =	wrdreg s15  }
0xe: {  	s17 =	sadd.s32 $0xC00, s4;
	[dreg:$0x9] =	wrdreg s16  }
0xf: {  	s18 =	sadd.s32 $0x1000, s4;
	[dreg:$0xa] =	wrdreg s17  }
0x10: {  	s20 =	sadd.s32 $0x1400, s4;
	[dreg:$0xb] =	wrdreg s18  }
0x11: {  	p0 =	seq.s32 s0, $0xF;
	s21 =	sadd.s32 $0x1800, s4;
	[dreg:$0xc] =	wrdreg s20  }
0x12: {  	s7 =	sadd.s32 $0x1E000, s2;
	s22 =	sadd.s32 $0x1C00, s4;
	[dreg:$0xd] =	wrdreg s21  }
0x13: {  	s5 =	sshrl.u32 @p0 s7, $0x3;
	[dreg:$0xe] =	wrdreg s22  }
0x14: {  	s7 =	sshll.u32 @!p0 s0, $0x6;
	[dreg:$0x11] =	wrdreg s5  }
0x15: {  	s19 =	sshll.u32 s0, $0xD;
	s5 =	sor.u32 @!p0 $0x1C0A, s7;
	s9 =	rddreg [dreg:$0x5]  }
0x16: {  	s6 =	sadd.s32 s19, s2;
	[dreg:$0xf] =	wrdreg s5  }
0x17: {  	s0 =	simm.s32 @p0 $0x1FCA;
	s5 =	sshrl.u32 @!p0 s6, $0x3;
	s10 =	rddreg [dreg:$0x11]  }
0x18: {  	s7 =	simm.s32 @p0 $0xA;
	[dreg:$0x10] =	wrdreg s5;
	s5 =	simm.s32 $0x1F40  }
0x19: {  	[tilespmem:s5], [sflag:$0x9] =	stream.linear.gather [hbm4b:s9+s3], $0x400, $0x38;
	[tilespmem:$0x12340] =	vst v63  }
0x1a: {  	[spmem:s10], [sflag:s0] =	dma.local @p0 [hbm:s8], $0x280  }
0x1b: {  	_ =	swait.ge @p0 [sflag:s7], $0x280  }
0x1c: {  	s8 =	rddreg [dreg:$0x10]  }
0x1d: {  	s10 =	rddreg [dreg:$0x6];
	[sflag:s7] =	ssyncset.done @p0 $0x0  }
0x1e: {  	s9 =	simm.s32 @!p0 $0xA;
	s11 =	rddreg [dreg:$0xf];
	[sflag:s7] =	ssyncadd.s32 @p0 $0xFFFFFD80  }
0x1f: {  	[spmem:s8], [sflag:s11] =	dma.local @!p0 [hbm:s10], $0x400  }
0x20: {  	_ =	swait.ge @!p0 [sflag:s9], $0x400  }
0x21: {  	[sflag:s9] =	ssyncset.done @!p0 $0x0  }
0x22: {  	s8 =	simm.s32 $0x9;
	[sflag:s9] =	ssyncadd.s32 @!p0 $0xFFFFFC00  }
0x23: {  	_ =	swait.ge [sflag:s8], $0x400  }
0x24: {  	[sflag:s8] =	ssyncset.done $0x0  }
0x25: {  	[sflag:s8] =	ssyncadd.s32 $0xFFFFFC00  }
0x26: {  	s10 =	simm.s32 $0x40;
	s11 =	simm.s32 $0x2340;
	[bflag:$0x0] =	sbarrier.arrive $0xFFFF  }
0x27: {  	[tilespmem:s11], [sflag:$0x1] =	stream.indirect.gather [spmem:s2], $0x80, s5, s10, $0xb8;
	[tilespmem:$0x12340] =	vst v63  }
0x28: {  	s12 =	simm.s32 $0x4340;
	s13 =	rddreg [dreg:$0x12]  }
0x29: {  	[tilespmem:s12], [sflag:$0x2] =	stream.indirect.gather [spmem:s2], $0x80, s13, s10, $0xb8;
	[tilespmem:$0x12340] =	vst v63  }
0x2a: {  	s14 =	rddreg [dreg:$0x13];
	s13 =	simm.s32 $0x6340  }
0x2b: {  	[tilespmem:s13], [sflag:$0x3] =	stream.indirect.gather [spmem:s2], $0x80, s14, s10, $0xb8;
	[tilespmem:$0x12340] =	vst v63  }
0x2c: {  	s15 =	rddreg [dreg:$0x14];
	s14 =	simm.s32 $0x8340  }
0x2d: {  	[tilespmem:s14], [sflag:$0x4] =	stream.indirect.gather [spmem:s2], $0x80, s15, s10, $0xb8;
	[tilespmem:$0x12340] =	vst v63  }
0x2e: {  	s26 =	simm.s32 $0x2140;
	s16 =	simm.s32 $0xA340  }
0x2f: {  	[tilespmem:s16], [sflag:$0x5] =	stream.indirect.gather [spmem:s2], $0x80, s26, s10, $0xb8;
	[tilespmem:$0x12340] =	vst v63  }
0x30: {  	s17 =	simm.s32 $0x21C0;
	s18 =	simm.s32 $0xC340  }
0x31: {  	[tilespmem:s18], [sflag:$0x6] =	stream.indirect.gather [spmem:s2], $0x80, s17, s10, $0xb8;
	[tilespmem:$0x12340] =	vst v63  }
0x32: {  	s19 =	simm.s32 $0x2240;
	s20 =	simm.s32 $0xE340  }
0x33: {  	[tilespmem:s20], [sflag:$0x7] =	stream.indirect.gather [spmem:s2], $0x80, s19, s10, $0xb8;
	[tilespmem:$0x12340] =	vst v63  }
0x34: {  	s23 =	simm.s32 $0x1;
	s21 =	simm.s32 $0x22C0;
	s22 =	simm.s32 $0x10340  }
0x35: {  	[tilespmem:s22], [sflag:$0x8] =	stream.indirect.gather [spmem:s2], $0x80, s21, s10, $0xb8;
	[tilespmem:$0x12340] =	vst v63  }
0x36: {  	_ =	swait.ge [sflag:s23], $0x2000  }
0x37: {  	[sflag:s23] =	ssyncset.done $0x0  }
0x38: {  	s24 =	simm.s32 $0x2;
	[sflag:s23] =	ssyncadd.s32 $0xFFFFE000  }
0x39: {  	[hbm4b:s4+s3] =	stream.linear.scatter [tilespmem:s11], [sflag:$0x9], $0x2000, $0x38;
	[tilespmem:$0x12340] =	vst v63  }
0x3a: {  	_ =	swait.ge [sflag:s24], $0x2000  }
0x3b: {  	[sflag:s24] =	ssyncset.done $0x0  }
0x3c: {  	s25 =	rddreg [dreg:$0x8];
	[sflag:s24] =	ssyncadd.s32 $0xFFFFE000  }
0x3d: {  	[hbm4b:s25+s3] =	stream.linear.scatter [tilespmem:s12], [sflag:$0x9], $0x2000, $0x38;
	[tilespmem:$0x12340] =	vst v63  }
0x3e: {  	s25 =	simm.s32 $0x3  }
0x3f: {  	_ =	swait.ge [sflag:s25], $0x2000  }
0x40: {  	[sflag:s25] =	ssyncset.done $0x0  }
0x41: {  	s26 =	rddreg [dreg:$0x9];
	[sflag:s25] =	ssyncadd.s32 $0xFFFFE000  }
0x42: {  	[hbm4b:s26+s3] =	stream.linear.scatter [tilespmem:s13], [sflag:$0x9], $0x2000, $0x38;
	[tilespmem:$0x12340] =	vst v63  }
0x43: {  	s26 =	simm.s32 $0x4  }
0x44: {  	_ =	swait.ge [sflag:s26], $0x2000  }
0x45: {  	[sflag:s26] =	ssyncset.done $0x0  }
0x46: {  	s28 =	rddreg [dreg:$0xa];
	[sflag:s26] =	ssyncadd.s32 $0xFFFFE000  }
0x47: {  	[hbm4b:s28+s3] =	stream.linear.scatter [tilespmem:s14], [sflag:$0x9], $0x2000, $0x38;
	[tilespmem:$0x12340] =	vst v63  }
0x48: {  	s28 =	simm.s32 $0x5  }
0x49: {  	_ =	swait.ge [sflag:s28], $0x2000  }
0x4a: {  	[sflag:s28] =	ssyncset.done $0x0  }
0x4b: {  	s29 =	rddreg [dreg:$0xb];
	[sflag:s28] =	ssyncadd.s32 $0xFFFFE000  }
0x4c: {  	[hbm4b:s29+s3] =	stream.linear.scatter [tilespmem:s16], [sflag:$0x9], $0x2000, $0x38;
	[tilespmem:$0x12340] =	vst v63  }
0x4d: {  	s29 =	simm.s32 $0x6  }
0x4e: {  	_ =	swait.ge [sflag:s29], $0x2000  }
0x4f: {  	[sflag:s29] =	ssyncset.done $0x0  }
0x50: {  	s30 =	rddreg [dreg:$0xc];
	[sflag:s29] =	ssyncadd.s32 $0xFFFFE000  }
0x51: {  	[hbm4b:s30+s3] =	stream.linear.scatter [tilespmem:s18], [sflag:$0x9], $0x2000, $0x38;
	[tilespmem:$0x12340] =	vst v63  }
0x52: {  	s30 =	simm.s32 $0x7  }
0x53: {  	_ =	swait.ge [sflag:s30], $0x2000  }
0x54: {  	[sflag:s30] =	ssyncset.done $0x0  }
0x55: {  	s31 =	rddreg [dreg:$0xd];
	[sflag:s30] =	ssyncadd.s32 $0xFFFFE000  }
0x56: {  	[hbm4b:s31+s3] =	stream.linear.scatter [tilespmem:s20], [sflag:$0x9], $0x2000, $0x38;
	[tilespmem:$0x12340] =	vst v63  }
0x57: {  	s31 =	simm.s32 $0x8  }
0x58: {  	_ =	swait.ge [sflag:s31], $0x2000  }
0x59: {  	[sflag:s31] =	ssyncset.done $0x0  }
0x5a: {  	s6 =	rddreg [dreg:$0xe];
	[sflag:s31] =	ssyncadd.s32 $0xFFFFE000  }
0x5b: {  	[hbm4b:s6+s3] =	stream.linear.scatter [tilespmem:s22], [sflag:$0x9], $0x2000, $0x38;
	[tilespmem:$0x12340] =	vst v63  }
0x5c: {  	_ =	swait.ge [sflag:s8], $0x2000  }
0x5d: {  	[sflag:s8] =	ssyncset.done $0x0  }
0x5e: {  	[sflag:s8] =	ssyncadd.s32 $0xFFFFE000  }
0x5f: {  	_ =	swait.ge [sflag:s8], $0x2000  }
0x60: {  	[sflag:s8] =	ssyncset.done $0x0  }
0x61: {  	[sflag:s8] =	ssyncadd.s32 $0xFFFFE000  }
0x62: {  	_ =	swait.ge [sflag:s8], $0x2000  }
0x63: {  	[sflag:s8] =	ssyncset.done $0x0  }
0x64: {  	[sflag:s8] =	ssyncadd.s32 $0xFFFFE000  }
0x65: {  	s15 =	ssub.s32 $0x2, s1;
	_ =	swait.ge [sflag:s8], $0x2000  }
0x66: {  	s1 =	sshrl.u32 s15, $0x1;
	[sflag:s8] =	ssyncset.done $0x0  }
0x67: {  	s0 =	ssub.s32 s15, s1;
	[sflag:s8] =	ssyncadd.s32 $0xFFFFE000  }
0x68: {  	s0 =	smax.u32 s0, $0x1;
	_ =	swait.ge [sflag:s8], $0x2000  }
0x69: {  	s1 =	sadd.s32 $0xFFFFFFFF, s0;
	[sflag:s8] =	ssyncset.done $0x0  }
0x6a: {  	p1 =	sne.s32 s1, $0x0;
	[sflag:s8] =	ssyncadd.s32 $0xFFFFE000  }
.Ltmp0:
0x6b: {  	_ =	swait.ge [sflag:s8], $0x2000;
	(pc) =	sbr.rel @!p1 .LBB2_2-.Ltmp0, $4  }
0x6c: {  	[sflag:s8] =	ssyncset.done $0x0  }
0x6d: {  	[sflag:s8] =	ssyncadd.s32 $0xFFFFE000  }
0x6e: {  	_ =	swait.ge [sflag:s8], $0x2000  }
0x6f: {  	[sflag:s8] =	ssyncset.done $0x0  }
.LBB2_1:
0x70: {  	[sflag:s8] =	ssyncadd.s32 $0xFFFFE000  }
0x71: {  	_ =	swait.ge [sflag:s8], $0x2000  }
0x72: {  	s0 =	rddreg [dreg:$0x7];
	[sflag:s8] =	ssyncset.done $0x0  }
0x73: {  	s6 =	rddreg [dreg:$0x5];
	[sflag:s8] =	ssyncadd.s32 $0xFFFFE000  }
0x74: {  	[tilespmem:s5], [sflag:$0x9] =	stream.linear.gather [hbm4b:s6+s3], $0x400, $0x38;
	[tilespmem:$0x12340] =	vst v63  }
0x75: {  	s15 =	rddreg [dreg:$0x11];
	s6 =	simm.s32 @p0 $0x1FCA  }
0x76: {  	[spmem:s15], [sflag:s6] =	dma.local @p0 [hbm:s0], $0x280  }
0x77: {  	_ =	swait.ge @p0 [sflag:s7], $0x280  }
0x78: {  	s0 =	rddreg [dreg:$0x10]  }
0x79: {  	[sflag:s7] =	ssyncset.done @p0 $0x0;
	s6 =	rddreg [dreg:$0x6]  }
0x7a: {  	s15 =	rddreg [dreg:$0xf];
	[sflag:s7] =	ssyncadd.s32 @p0 $0xFFFFFD80  }
0x7b: {  	[spmem:s0], [sflag:s15] =	dma.local @!p0 [hbm:s6], $0x400  }
0x7c: {  	_ =	swait.ge @!p0 [sflag:s9], $0x400  }
0x7d: {  	[sflag:s9] =	ssyncset.done @!p0 $0x0  }
0x7e: {  	[sflag:s9] =	ssyncadd.s32 @!p0 $0xFFFFFC00  }
0x7f: {  	_ =	swait.ge [sflag:s8], $0x400  }
0x80: {  	[sflag:s8] =	ssyncset.done $0x0  }
0x81: {  	[sflag:s8] =	ssyncadd.s32 $0xFFFFFC00  }
0x82: {  	[bflag:$0x0] =	sbarrier.arrive $0xFFFF  }
0x83: {  	[tilespmem:s11], [sflag:$0x1] =	stream.indirect.gather [spmem:s2], $0x80, s5, s10, $0xb8;
	[tilespmem:$0x12340] =	vst v63  }
0x84: {  	s15 =	rddreg [dreg:$0x12]  }
0x85: {  	[tilespmem:s12], [sflag:$0x2] =	stream.indirect.gather [spmem:s2], $0x80, s15, s10, $0xb8;
	[tilespmem:$0x12340] =	vst v63  }
0x86: {  	s6 =	rddreg [dreg:$0x13]  }
0x87: {  	[tilespmem:s13], [sflag:$0x3] =	stream.indirect.gather [spmem:s2], $0x80, s6, s10, $0xb8;
	[tilespmem:$0x12340] =	vst v63  }
0x88: {  	s15 =	rddreg [dreg:$0x14]  }
0x89: {  	[tilespmem:s14], [sflag:$0x4] =	stream.indirect.gather [spmem:s2], $0x80, s15, s10, $0xb8;
	[tilespmem:$0x12340] =	vst v63  }
0x8a: {  	s6 =	simm.s32 $0x2140  }
0x8b: {  	[tilespmem:s16], [sflag:$0x5] =	stream.indirect.gather [spmem:s2], $0x80, s6, s10, $0xb8;
	[tilespmem:$0x12340] =	vst v63  }
0x8c: {  	_ = 	snop  }
0x8d: {  	[tilespmem:s18], [sflag:$0x6] =	stream.indirect.gather [spmem:s2], $0x80, s17, s10, $0xb8;
	[tilespmem:$0x12340] =	vst v63  }
0x8e: {  	_ = 	snop  }
0x8f: {  	[tilespmem:s20], [sflag:$0x7] =	stream.indirect.gather [spmem:s2], $0x80, s19, s10, $0xb8;
	[tilespmem:$0x12340] =	vst v63  }
0x90: {  	_ = 	snop  }
0x91: {  	[tilespmem:s22], [sflag:$0x8] =	stream.indirect.gather [spmem:s2], $0x80, s21, s10, $0xb8;
	[tilespmem:$0x12340] =	vst v63  }
0x92: {  	_ =	swait.ge [sflag:s23], $0x2000  }
0x93: {  	[sflag:s23] =	ssyncset.done $0x0  }
0x94: {  	[sflag:s23] =	ssyncadd.s32 $0xFFFFE000  }
0x95: {  	[hbm4b:s4+s3] =	stream.linear.scatter [tilespmem:s11], [sflag:$0x9], $0x2000, $0x38;
	[tilespmem:$0x12340] =	vst v63  }
0x96: {  	_ =	swait.ge [sflag:s24], $0x2000  }
0x97: {  	[sflag:s24] =	ssyncset.done $0x0  }
0x98: {  	s15 =	rddreg [dreg:$0x8];
	[sflag:s24] =	ssyncadd.s32 $0xFFFFE000  }
0x99: {  	[hbm4b:s15+s3] =	stream.linear.scatter [tilespmem:s12], [sflag:$0x9], $0x2000, $0x38;
	[tilespmem:$0x12340] =	vst v63  }
0x9a: {  	_ =	swait.ge [sflag:s25], $0x2000  }
0x9b: {  	[sflag:s25] =	ssyncset.done $0x0  }
0x9c: {  	s6 =	rddreg [dreg:$0x9];
	[sflag:s25] =	ssyncadd.s32 $0xFFFFE000  }
0x9d: {  	[hbm4b:s6+s3] =	stream.linear.scatter [tilespmem:s13], [sflag:$0x9], $0x2000, $0x38;
	[tilespmem:$0x12340] =	vst v63  }
0x9e: {  	_ =	swait.ge [sflag:s26], $0x2000  }
0x9f: {  	[sflag:s26] =	ssyncset.done $0x0  }
0xa0: {  	s15 =	rddreg [dreg:$0xa];
	[sflag:s26] =	ssyncadd.s32 $0xFFFFE000  }
0xa1: {  	[hbm4b:s15+s3] =	stream.linear.scatter [tilespmem:s14], [sflag:$0x9], $0x2000, $0x38;
	[tilespmem:$0x12340] =	vst v63  }
0xa2: {  	_ =	swait.ge [sflag:s28], $0x2000  }
0xa3: {  	[sflag:s28] =	ssyncset.done $0x0  }
0xa4: {  	s6 =	rddreg [dreg:$0xb];
	[sflag:s28] =	ssyncadd.s32 $0xFFFFE000  }
0xa5: {  	[hbm4b:s6+s3] =	stream.linear.scatter [tilespmem:s16], [sflag:$0x9], $0x2000, $0x38;
	[tilespmem:$0x12340] =	vst v63  }
0xa6: {  	_ =	swait.ge [sflag:s29], $0x2000  }
0xa7: {  	[sflag:s29] =	ssyncset.done $0x0  }
0xa8: {  	s15 =	rddreg [dreg:$0xc];
	[sflag:s29] =	ssyncadd.s32 $0xFFFFE000  }
0xa9: {  	[hbm4b:s15+s3] =	stream.linear.scatter [tilespmem:s18], [sflag:$0x9], $0x2000, $0x38;
	[tilespmem:$0x12340] =	vst v63  }
0xaa: {  	_ =	swait.ge [sflag:s30], $0x2000  }
0xab: {  	[sflag:s30] =	ssyncset.done $0x0  }
0xac: {  	s6 =	rddreg [dreg:$0xd];
	[sflag:s30] =	ssyncadd.s32 $0xFFFFE000  }
0xad: {  	[hbm4b:s6+s3] =	stream.linear.scatter [tilespmem:s20], [sflag:$0x9], $0x2000, $0x38;
	[tilespmem:$0x12340] =	vst v63  }
0xae: {  	_ =	swait.ge [sflag:s31], $0x2000  }
0xaf: {  	[sflag:s31] =	ssyncset.done $0x0  }
0xb0: {  	s15 =	rddreg [dreg:$0xe];
	[sflag:s31] =	ssyncadd.s32 $0xFFFFE000  }
0xb1: {  	[hbm4b:s15+s3] =	stream.linear.scatter [tilespmem:s22], [sflag:$0x9], $0x2000, $0x38;
	[tilespmem:$0x12340] =	vst v63  }
0xb2: {  	_ =	swait.ge [sflag:s8], $0x2000  }
0xb3: {  	[sflag:s8] =	ssyncset.done $0x0  }
0xb4: {  	[sflag:s8] =	ssyncadd.s32 $0xFFFFE000  }
0xb5: {  	_ =	swait.ge [sflag:s8], $0x2000  }
0xb6: {  	[sflag:s8] =	ssyncset.done $0x0  }
0xb7: {  	[sflag:s8] =	ssyncadd.s32 $0xFFFFE000  }
0xb8: {  	_ =	swait.ge [sflag:s8], $0x2000  }
0xb9: {  	[sflag:s8] =	ssyncset.done $0x0  }
0xba: {  	[sflag:s8] =	ssyncadd.s32 $0xFFFFE000  }
0xbb: {  	_ =	swait.ge [sflag:s8], $0x2000  }
0xbc: {  	[sflag:s8] =	ssyncset.done $0x0  }
0xbd: {  	[sflag:s8] =	ssyncadd.s32 $0xFFFFE000  }
0xbe: {  	_ =	swait.ge [sflag:s8], $0x2000  }
0xbf: {  	s1 =	sadd.s32 $0xFFFFFFFF, s1;
	[sflag:s8] =	ssyncset.done $0x0  }
0xc0: {  	p1 =	sne.s32 s1, $0x0;
	[sflag:s8] =	ssyncadd.s32 $0xFFFFE000  }
.Ltmp1:
0xc1: {  	_ =	swait.ge [sflag:s8], $0x2000;
	(pc) =	sbr.rel @p1 .LBB2_1-.Ltmp1, $4  }
0xc2: {  	[sflag:s8] =	ssyncset.done $0x0  }
0xc3: {  	[sflag:s8] =	ssyncadd.s32 $0xFFFFE000  }
0xc4: {  	_ =	swait.ge [sflag:s8], $0x2000  }
0xc5: {  	[sflag:s8] =	ssyncset.done $0x0  }
.LBB2_2:
0xc6: {  	[sflag:s8] =	ssyncadd.s32 $0xFFFFE000  }
0xc7: {  	_ =	swait.ge [sflag:s8], $0x2000  }
0xc8: {  	[sflag:s8] =	ssyncset.done $0x0  }
0xc9: {  	[sflag:s8] =	ssyncadd.s32 $0xFFFFE000  }
0xca: {  	_ =	sfence.sel $0x180000  }
0xcb: {  	[bflag:$0x0] =	sbarrier.arrive $0xFFFF  }
0xcc: {  	_ =	strace $0x90000047  }
0xcd: {  	s0 =	stileid.u32;
	[bflag:$0x2] =	sbarrier.arrive $0xFFFF  }
0xce: {  	p0 =	sne.s32 s0, $0x0;
	s0 =	rddreg [dreg:$0x4]  }
0xcf: {  	s0 =	sadd.s32 @!p0 $0x100000, s0  }
0xd0: {  	[sflag:s0] =	ssyncadd.tile.s32 @!p0 $0x1;
	_ =	shalt  }
.Lfunc_end2:
_tile_overlayer_lowered:
.L_overlay_start_2:
0xd1: {  	(tag) =	ssettag $0x2  }
0xd2: {  	s0 =	rddreg [dreg:$0x0];
	s2 =	stileid.u32  }
0xd3: {  	s1 =	rddreg [dreg:$0x1];
	p0 =	sne.s32 s2, $0x0  }
0xd4: {  	s3 =	rddreg [dreg:$0x2];
	[bflag:$0x3] =	sbarrier.arrive $0xFFFF;
	s2 =	simm.s32 @!p0 $0x1C0A  }
0xd5: {  	[timem:s3], [sflag:s2] =	dma.local @!p0 [hbm:s0], s1  }
0xd6: {  	s0 =	simm.s32 @!p0 $0xA  }
0xd7: {  	_ =	swait.ge @!p0 [sflag:s0], s1  }
0xd8: {  	s1 =	ssub.s32 @!p0 $0x0, s1;
	[sflag:s0] =	ssyncset.done @!p0 $0x0  }
0xd9: {  	[sflag:s0] =	ssyncadd.s32 @!p0 s1  }
0xda: {  	[bflag:$0x3] =	sbarrier.arrive $0xFFFF  }
0xdb: {  	_ =	shalt  }

</sc_bundles>
